<compile_context>
chip_gen: v7x
topology: tpu7x:2x2x1
jax: 0.10.2.dev20260603
libtpu: 0.0.44.dev20260713+nightly
codegen_flags: <defaults>
</compile_context>

<pallas_src>
import functools

import jax
import jax.numpy as jnp
from jax import lax
from jax.experimental import pallas as pl
from jax.experimental.pallas import tpu as pltpu
from jax.experimental.pallas import tpu_sc as plsc

_HI = lax.Precision.HIGHEST

_NC = 2
_NS = 16
_NW = _NC * _NS
_B = 256
_BPW = _B // _NW




def _conv_s2d_body(x_ref, w_ref, b_ref, o_ref, *, hw):
    acc = None
    for dy in range(2):
        for dx in range(2):
            sl = x_ref[0, dy:dy + hw, dx:dx + hw, :]
            sl = sl.reshape(hw * hw, sl.shape[-1])
            t = jnp.dot(sl, w_ref[dy, dx], precision=_HI)
            acc = t if acc is None else acc + t
    o_ref[...] = jnp.maximum(acc + b_ref[...], 0.0)


def _conv_s2d(x, w, b, hw):
    co = w.shape[-1]
    c4 = x.shape[-1]
    return pl.pallas_call(
        functools.partial(_conv_s2d_body, hw=hw),
        grid=(8,),
        in_specs=[
            pl.BlockSpec((1, hw + 1, hw + 1, c4), lambda i: (i, 0, 0, 0)),
            pl.BlockSpec((2, 2, c4, co), lambda i: (0, 0, 0, 0)),
            pl.BlockSpec((1, co), lambda i: (0, 0)),
        ],
        out_specs=pl.BlockSpec((hw * hw, co), lambda i: (i, 0)),
        out_shape=jax.ShapeDtypeStruct((8 * hw * hw, co), jnp.float32),
    )(x, w, b.reshape(1, co))


def _s2d(x):
    if x.ndim == 3:
        x = x[..., None]
    b, h2, w2, c = x.shape
    return (x.reshape(b, h2 // 2, 2, w2 // 2, 2, c)
            .transpose(0, 1, 3, 2, 4, 5)
            .reshape(b, h2 // 2, w2 // 2, 4 * c))


def _w_s2d(w):
    kh, kw, ci, co = w.shape
    return (w.reshape(2, 2, 2, 2, ci, co)
            .transpose(0, 2, 1, 3, 4, 5)
            .reshape(2, 2, 4 * ci, co))


def _conv2_body(x_ref, w_ref, b_ref, o_ref):
    v = x_ref[0]
    rowv = {}
    for oy in (-1, 0, 1, 2):
        p = oy % 2
        base = (oy - p) // 2
        vp = v.reshape(16, 2, 32, 32)[:, p]
        if base == 1:
            vp = jnp.concatenate(
                [vp[1:], jnp.zeros((1, 32, 32), jnp.float32)], axis=0)
        elif base == -1:
            vp = jnp.concatenate(
                [jnp.zeros((1, 32, 32), jnp.float32), vp[:15]], axis=0)
        rowv[oy] = vp
    acc = None
    for ky in range(4):
        ry = rowv[ky - 1]
        for kx in range(4):
            ox = kx - 1
            q = ox % 2
            base = (ox - q) // 2
            u = ry.reshape(16, 16, 2, 32)[:, :, q, :]
            if base == 1:
                u = jnp.concatenate(
                    [u[:, 1:, :], jnp.zeros((16, 1, 32), jnp.float32)], axis=1)
            elif base == -1:
                u = jnp.concatenate(
                    [jnp.zeros((16, 1, 32), jnp.float32), u[:, :15, :]], axis=1)
            t = jnp.dot(u.reshape(256, 32), w_ref[ky, kx], precision=_HI)
            acc = t if acc is None else acc + t
    o_ref[...] = jnp.maximum(acc + b_ref[...], 0.0)


def _conv2(x, w, b):
    return pl.pallas_call(
        _conv2_body,
        grid=(8,),
        in_specs=[
            pl.BlockSpec((1, 32, 32, 32), lambda i: (i, 0, 0, 0)),
            pl.BlockSpec((4, 4, 32, 64), lambda i: (0, 0, 0, 0)),
            pl.BlockSpec((1, 64), lambda i: (0, 0)),
        ],
        out_specs=pl.BlockSpec((256, 64), lambda i: (i, 0)),
        out_shape=jax.ShapeDtypeStruct((2048, 64), jnp.float32),
    )(x, w, b.reshape(1, 64))




def _fc1_body(x_ref, w_ref, b_ref, pw_ref, pb_ref, o_ref, acc_ref):
    k = pl.program_id(0)

    @pl.when(k == 0)
    def _init():
        acc_ref[...] = jnp.zeros_like(acc_ref)

    acc_ref[...] += jnp.dot(x_ref[...], w_ref[...], precision=_HI)

    @pl.when(k == pl.num_programs(0) - 1)
    def _fin():
        a3 = jnp.maximum(acc_ref[...] + b_ref[...], 0.0)
        o_ref[...] = jnp.dot(a3, pw_ref[...], precision=_HI) + pb_ref[...]


def _fc1(x, w, b, pw, pb):
    return pl.pallas_call(
        _fc1_body,
        grid=(8,),
        in_specs=[
            pl.BlockSpec((8, 2048), lambda k: (0, k)),
            pl.BlockSpec((2048, 512), lambda k: (k, 0)),
            pl.BlockSpec((1, 512), lambda k: (0, 0)),
            pl.BlockSpec((512, 1024), lambda k: (0, 0)),
            pl.BlockSpec((1, 1024), lambda k: (0, 0)),
        ],
        out_specs=pl.BlockSpec((8, 1024), lambda k: (0, 0)),
        out_shape=jax.ShapeDtypeStruct((8, 1024), jnp.float32),
        scratch_shapes=[pltpu.VMEM((8, 512), jnp.float32)],
    )(x, w, b.reshape(1, 512), pw, pb.reshape(1, 1024))




def _mm_body(x_ref, w_ref, b_ref, o_ref, *, act):
    y = jnp.dot(x_ref[...], w_ref[...], precision=_HI) + b_ref[...]
    if act == "relu":
        y = jnp.maximum(y, 0.0)
    o_ref[...] = y


def _matmul(x, w, b, act):
    m, n = x.shape[0], w.shape[1]
    return pl.pallas_call(
        functools.partial(_mm_body, act=act),
        out_shape=jax.ShapeDtypeStruct((m, n), jnp.float32),
    )(x, w, b.reshape(1, n))



_VQ_CHUNK = 4096


def _vq_body(p_ref, e_ref, idx_ref, minv_ref):
    k = pl.program_id(0)

    @pl.when(k == 0)
    def _init():
        minv_ref[...] = jnp.full_like(minv_ref, jnp.inf)
        idx_ref[...] = jnp.zeros_like(idx_ref)

    p = p_ref[...]
    e = e_ref[...]
    p_aug = jnp.concatenate([-2.0 * p, jnp.ones((_B, 1), jnp.float32)], axis=1)
    e_aug = jnp.concatenate([e, jnp.sum(e * e, axis=1, keepdims=True)], axis=1)
    s = lax.dot_general(p_aug, e_aug, (((1,), (1,)), ((), ())), precision=_HI)
    m = jnp.min(s, axis=1, keepdims=True)
    col = lax.broadcasted_iota(jnp.int32, s.shape, 1)
    li = jnp.min(jnp.where(s <= m, col, jnp.int32(2**30)), axis=1, keepdims=True)
    better = m < minv_ref[...]
    idx_ref[...] = jnp.where(better, li + k * _VQ_CHUNK, idx_ref[...])
    minv_ref[...] = jnp.minimum(minv_ref[...], m)


def _vq(p, embeds):
    n = embeds.shape[0]
    return pl.pallas_call(
        _vq_body,
        grid=(n // _VQ_CHUNK,),
        in_specs=[
            pl.BlockSpec((_B, 32), lambda k: (0, 0)),
            pl.BlockSpec((_VQ_CHUNK, 32), lambda k: (k, 0)),
        ],
        out_specs=pl.BlockSpec((_B, 1), lambda k: (0, 0)),
        out_shape=jax.ShapeDtypeStruct((_B, 1), jnp.int32),
        scratch_shapes=[pltpu.VMEM((_B, 1), jnp.float32)],
    )(p, embeds)




@functools.cache
def _make_sc_gather():
    mesh = plsc.VectorSubcoreMesh(
        core_axis_name="c", subcore_axis_name="s", num_cores=_NC)

    @functools.partial(
        pl.kernel,
        mesh=mesh,
        out_type=jax.ShapeDtypeStruct((_B, 32), jnp.float32),
        scratch_types=[
            pltpu.VMEM((_BPW,), jnp.int32),
            pltpu.VMEM((_BPW, 32), jnp.float32),
            pltpu.SemaphoreType.DMA,
        ],
        compiler_params=pltpu.CompilerParams(use_tc_tiling_on_sc=False),
    )
    def _sc_gather(table_hbm, idx_hbm, out_hbm, idx_v, rows_v, sem):
        wid = lax.axis_index("s") * _NC + lax.axis_index("c")
        base = wid * _BPW
        pltpu.sync_copy(idx_hbm.at[pl.ds(base, _BPW)], idx_v)
        pltpu.async_copy(table_hbm.at[idx_v], rows_v, sem).wait()
        pltpu.sync_copy(rows_v, out_hbm.at[pl.ds(base, _BPW)])

    return _sc_gather


def _gather_rows(embeds, idx):
    return _make_sc_gather()(embeds, idx)




def _dec_body(pred_ref, col_ref, w1_ref, b1_ref, w2_ref, b2_ref, o_ref, y_ref):
    k = pl.program_id(0)

    @pl.when(k == 0)
    def _fc():
        ste = (-pred_ref[...] + col_ref[...]) + pred_ref[...]
        y_ref[...] = jnp.maximum(
            jnp.dot(ste, w1_ref[...], precision=_HI) + b1_ref[...], 0.0)

    y = y_ref[...]
    o_ref[...] = jnp.maximum(
        jnp.concatenate([jnp.dot(y, w2_ref[0, q], precision=_HI)
                         for q in range(8)], axis=1) + b2_ref[...], 0.0)


def _dec_fc(pred, col, dec_fc1_w, dec_fc1_b, w1_raw, bt1):
    return pl.pallas_call(
        _dec_body,
        grid=(8,),
        in_specs=[
            pl.BlockSpec((8, 1024), lambda k: (0, 0)),
            pl.BlockSpec((8, 1024), lambda k: (0, 0)),
            pl.BlockSpec((1024, 512), lambda k: (0, 0)),
            pl.BlockSpec((1, 512), lambda k: (0, 0)),
            pl.BlockSpec((1, 8, 512, 64), lambda k: (k, 0, 0, 0)),
            pl.BlockSpec((1, 512), lambda k: (0, k)),
        ],
        out_specs=pl.BlockSpec((8, 512), lambda k: (0, k)),
        out_shape=jax.ShapeDtypeStruct((8, 4096), jnp.float32),
        scratch_shapes=[pltpu.VMEM((8, 512), jnp.float32)],
    )(pred, col, dec_fc1_w, dec_fc1_b.reshape(1, 512), w1_raw,
      bt1.reshape(1, 4096))




def _dectail_body(y_ref, w2_ref, b2_ref, w3_ref, b3_ref, w4_ref, b4_ref, o_ref):
    y2 = jnp.maximum(jnp.dot(y_ref[...], w2_ref[...], precision=_HI)
                     + b2_ref[...], 0.0)
    y3 = jnp.concatenate(
        [jnp.maximum(jnp.dot(y2[:, 64 * g:64 * g + 64], w3_ref[...],
                             precision=_HI) + b3_ref[...], 0.0)
         for g in range(4)], axis=1)
    y4 = jnp.concatenate(
        [jnp.dot(y3[:, 32 * g:32 * g + 32], w4_ref[...], precision=_HI)
         + b4_ref[...]
         for g in range(16)], axis=1)
    o_ref[...] = jax.nn.sigmoid(y4)


def _dec_tail(y, wt2, bt2, wt3, bt3, wt4, bt4):
    return pl.pallas_call(
        _dectail_body,
        out_shape=jax.ShapeDtypeStruct((512, 64), jnp.float32),
    )(y, wt2, bt2.reshape(1, 256), wt3, bt3.reshape(1, 128),
      wt4, bt4.reshape(1, 4))


def _wt(w):
    kh, kw, ci, co = w.shape
    return w[::-1, ::-1].transpose(2, 0, 1, 3).reshape(ci, kh * kw * co)


def kernel(input_pl, enc_conv1_w, enc_conv1_b, enc_conv2_w, enc_conv2_b,
           enc_fc1_w, enc_fc1_b, pred_fc_w, pred_fc_b, embeds,
           dec_fc1_w, dec_fc1_b, dec_conv1_w, dec_conv1_b, dec_conv2_w,
           dec_conv2_b, dec_conv3_w, dec_conv3_b, dec_conv4_w, dec_conv4_b):
    x1 = _s2d(jnp.pad(input_pl, ((0, 0), (1, 1), (1, 1))))
    p1 = jnp.concatenate(
        [x1[:, dy:dy + 32, dx:dx + 32, :] for dy in range(2) for dx in range(2)],
        axis=-1)
    a1 = _matmul(p1.reshape(8192, 16), _w_s2d(enc_conv1_w).reshape(16, 32),
                 enc_conv1_b, "relu")

    a2 = _conv2(a1.reshape(8, 32, 32, 32), enc_conv2_w, enc_conv2_b)

    pred = _fc1(a2.reshape(8, 16384), enc_fc1_w, enc_fc1_b,
                pred_fc_w, pred_fc_b)

    idx = _vq(pred.reshape(_B, 32), embeds)

    collected = _gather_rows(embeds, idx.reshape(_B))

    y = _dec_fc(pred, collected.reshape(8, 1024), dec_fc1_w, dec_fc1_b,
                dec_conv1_w, jnp.tile(dec_conv1_b, 64))
    y = y.reshape(512, 64)

    y = _dec_tail(y, _wt(dec_conv2_w), jnp.tile(dec_conv2_b, 4),
                  _wt(dec_conv3_w), jnp.tile(dec_conv3_b, 4),
                  _wt(dec_conv4_w), jnp.tile(dec_conv4_b, 4))

    return (y.reshape(8, 8, 8, 2, 2, 2, 2, 2, 2)[:, ::-1, ::-1]
            .transpose(0, 1, 3, 5, 7, 2, 4, 6, 8)
            .reshape(8, 64, 64, 1))

# --- scband reference (transcript-rebuilt; emitter-appended) ---
"""Pipeline reference for scband-vq-vae-62577673503135 (READ-ONLY COPY).

The authoritative reference and input builder live on the scoring server;
editing this copy changes nothing except your own understanding.
"""

import jax, jax.numpy as jnp
import numpy as np

LATENT_SIZE = 32
EMBEDDING_SIZE = 32
NUM_EMBEDDINGS = 8192


def _conv(x, w, b, stride):
    y = jax.lax.conv_general_dilated(x, w, (stride, stride), 'SAME', dimension_numbers=('NHWC', 'HWIO', 'NHWC'))
    return jax.nn.relu(y + b)


def _convT(x, w, b, stride, relu=True):
    y = jax.lax.conv_transpose(x, w, (stride, stride), 'VALID', dimension_numbers=('NHWC', 'HWIO', 'NHWC'))
    y = y + b
    return jax.nn.relu(y) if relu else y


def setup_inputs(seed: int = 0):
    key = jax.random.key(seed)
    ks = jax.random.split(key, 20)

    def w(k, shape, fan_in):
        return jax.random.normal(k, shape, dtype=jnp.float32) * np.float32(1.0 / np.sqrt(fan_in))

    inp = {}
    inp['input_pl'] = jax.random.uniform(ks[0], (8, 64, 64), dtype=jnp.float32)
    inp['enc_conv1_w'] = w(ks[1], (4, 4, 1, 32), 16)
    inp['enc_conv1_b'] = jnp.zeros((32,), jnp.float32)
    inp['enc_conv2_w'] = w(ks[2], (4, 4, 32, 64), 512)
    inp['enc_conv2_b'] = jnp.zeros((64,), jnp.float32)
    inp['enc_fc1_w'] = w(ks[3], (16384, 512), 16384)
    inp['enc_fc1_b'] = jnp.zeros((512,), jnp.float32)
    inp['pred_fc_w'] = w(ks[4], (512, LATENT_SIZE * EMBEDDING_SIZE), 512)
    inp['pred_fc_b'] = jnp.zeros((LATENT_SIZE * EMBEDDING_SIZE,), jnp.float32)
    inp['embeds'] = jax.random.truncated_normal(ks[5], -2.0, 2.0, (NUM_EMBEDDINGS, EMBEDDING_SIZE), dtype=jnp.float32) * 0.02
    inp['dec_fc1_w'] = w(ks[6], (LATENT_SIZE * EMBEDDING_SIZE, 512), 1024)
    inp['dec_fc1_b'] = jnp.zeros((512,), jnp.float32)
    inp['dec_conv1_w'] = w(ks[7], (8, 8, 512, 64), 512)
    inp['dec_conv1_b'] = jnp.zeros((64,), jnp.float32)
    inp['dec_conv2_w'] = w(ks[8], (2, 2, 64, 64), 256)
    inp['dec_conv2_b'] = jnp.zeros((64,), jnp.float32)
    inp['dec_conv3_w'] = w(ks[9], (2, 2, 64, 32), 256)
    inp['dec_conv3_b'] = jnp.zeros((32,), jnp.float32)
    inp['dec_conv4_w'] = w(ks[10], (2, 2, 32, 1), 128)
    inp['dec_conv4_b'] = jnp.zeros((1,), jnp.float32)
    return inp


def reference(input_pl, enc_conv1_w, enc_conv1_b, enc_conv2_w, enc_conv2_b, enc_fc1_w, enc_fc1_b, pred_fc_w, pred_fc_b, embeds, dec_fc1_w, dec_fc1_b, dec_conv1_w, dec_conv1_b, dec_conv2_w, dec_conv2_b, dec_conv3_w, dec_conv3_b, dec_conv4_w, dec_conv4_b):
    # Encoder
    x = input_pl[..., None]
    x = _conv(x, enc_conv1_w, enc_conv1_b, 2)
    x = _conv(x, enc_conv2_w, enc_conv2_b, 2)
    x = x.reshape((x.shape[0], -1))
    x = jax.nn.relu(x @ enc_fc1_w + enc_fc1_b)
    # Middle: predict embeddings and vector-quantize against the codebook
    pred_embeds = x @ pred_fc_w + pred_fc_b
    pred_embeds = pred_embeds.reshape((-1, LATENT_SIZE, EMBEDDING_SIZE))
    diff = pred_embeds[:, :, None, :] - embeds[None, None, :, :]
    norm = jnp.sqrt(jnp.sum(diff * diff, axis=3))
    classes = jnp.argmin(norm, axis=2)
    flat_classes = classes.reshape((-1,))
    vector_of_collected = jnp.take(embeds, flat_classes, axis=0)
    collected = vector_of_collected.reshape((classes.shape[0], LATENT_SIZE, EMBEDDING_SIZE))
    # straight-through estimator, exactly as in the TF code
    collected = jax.lax.stop_gradient(-pred_embeds) + collected + pred_embeds
    flat_collected = collected.reshape((-1, LATENT_SIZE * EMBEDDING_SIZE))
    # Decoder
    y = jax.nn.relu(flat_collected @ dec_fc1_w + dec_fc1_b)
    y = y[:, None, None, :]
    y = _convT(y, dec_conv1_w, dec_conv1_b, 1)
    y = _convT(y, dec_conv2_w, dec_conv2_b, 2)
    y = _convT(y, dec_conv3_w, dec_conv3_b, 2)
    logits = _convT(y, dec_conv4_w, dec_conv4_b, 2, relu=False)
    # loss_type == SIGMOID_CROSS_ENTROPY -> output is sigmoid(logits)
    return jax.nn.sigmoid(logits)

if __name__ == "__main__":
    import jax
    _d = setup_inputs()
    print(jax.jit(kernel)(*tuple(_d.values())))

</pallas_src>

<mosaic_0001>
#map = affine_map<(d0, d1) -> (0, 0)>
#map1 = affine_map<(d0, d1) -> (0)>
module attributes {stable_mosaic.version = 14 : i64} {
  func.func @_sc_gather(%arg0: i32, %arg1: i32, %arg2: memref<8192x32xf32, #tpu.memory_space<hbm>>, %arg3: memref<256xi32, #tpu.memory_space<hbm>>, %arg4: memref<256x32xf32, #tpu.memory_space<hbm>>, %arg5: memref<8xi32, #tpu.memory_space<vmem>>, %arg6: memref<8x32xf32, #tpu.memory_space<vmem>>, %arg7: memref<!tpu.dma_semaphore, #tpu.memory_space<semaphore_mem>>) attributes {dimension_semantics = [#tpu.dimension_semantics<core_parallel>, #tpu.dimension_semantics<subcore_parallel>], iteration_bounds = array<i64: 2, 16>, scalar_prefetch = 0 : i64, scratch_operands = 3 : i64, tpu.core_type = #tpu.core_type<sc_vector_subcore>, window_params = [{transform_indices = #map}, {transform_indices = #map1}, {transform_indices = #map}]} {
    %mul3A = arith.constant 2 : i32
    %mul3A_0 = arith.muli %arg1, %mul3A : i32
    %add3A = arith.addi %mul3A_0, %arg0 : i32
    %mul3A_1 = arith.constant 8 : i32
    %mul3A_2 = arith.muli %add3A, %mul3A_1 : i32
    "tpu.region"() ({
      %run_scoped3A = tpu.sem_alloc : memref<!tpu.dma_semaphore, #tpu.memory_space<semaphore_mem>>
      %dma_start3A_7 = tpu.memref_slice %arg3[%mul3A_2] : memref<256xi32, #tpu.memory_space<hbm>> -> memref<8xi32, #tpu.memory_space<hbm>>
      %dma_start3A_8 = tpu.memref_slice %arg3[%mul3A_2] : memref<256xi32, #tpu.memory_space<hbm>> -> memref<8xi32, #tpu.memory_space<hbm>>
      tpu.enqueue_dma source(%dma_start3A_8 : memref<8xi32, #tpu.memory_space<hbm>>) target(%arg5 : memref<8xi32, #tpu.memory_space<vmem>>) target_semaphore(%run_scoped3A : memref<!tpu.dma_semaphore, #tpu.memory_space<semaphore_mem>>)
      %dma_wait3A_9 = tpu.memref_slice %arg3[%mul3A_2] : memref<256xi32, #tpu.memory_space<hbm>> -> memref<8xi32, #tpu.memory_space<hbm>>
      %dma_wait3A_10 = tpu.memref_slice %arg3[%mul3A_2] : memref<256xi32, #tpu.memory_space<hbm>> -> memref<8xi32, #tpu.memory_space<hbm>>
      tpu.wait_dma2 semaphore(%run_scoped3A : memref<!tpu.dma_semaphore, #tpu.memory_space<semaphore_mem>>) src(%dma_wait3A_10 : memref<8xi32, #tpu.memory_space<hbm>>) dst(%arg5 : memref<8xi32, #tpu.memory_space<vmem>>)
      tpu.yield
    }) : () -> ()
    %dma_start3A = arith.constant 0 : i32
    %dma_start3A_3 = arith.constant 0 : i32
    %dma_start3A_4 = tpu.memref_slice %arg2[%dma_start3A, %dma_start3A_3] : memref<8192x32xf32, #tpu.memory_space<hbm>> -> memref<8192x32xf32, #tpu.memory_space<hbm>>
    tpu.enqueue_indirect_dma source(%dma_start3A_4 : memref<8192x32xf32, #tpu.memory_space<hbm>>) target(%arg6 : memref<8x32xf32, #tpu.memory_space<vmem>>) offsets(%arg5 : memref<8xi32, #tpu.memory_space<vmem>>) semaphore(%arg7 : memref<!tpu.dma_semaphore, #tpu.memory_space<semaphore_mem>>)
    %dma_wait3A = arith.constant 0 : i32
    %dma_wait3A_5 = arith.constant 0 : i32
    %dma_wait3A_6 = tpu.memref_slice %arg2[%dma_wait3A, %dma_wait3A_5] : memref<8192x32xf32, #tpu.memory_space<hbm>> -> memref<8192x32xf32, #tpu.memory_space<hbm>>
    tpu.wait_indirect_dma semaphore(%arg7 : memref<!tpu.dma_semaphore, #tpu.memory_space<semaphore_mem>>) src(%dma_wait3A_6 : memref<8192x32xf32, #tpu.memory_space<hbm>>) dst(%arg6 : memref<8x32xf32, #tpu.memory_space<vmem>>)
    "tpu.region"() ({
      %run_scoped3A = tpu.sem_alloc : memref<!tpu.dma_semaphore, #tpu.memory_space<semaphore_mem>>
      %dma_start3A_7 = arith.constant 0 : i32
      %dma_start3A_8 = tpu.memref_slice %arg4[%mul3A_2, %dma_start3A_7] : memref<256x32xf32, #tpu.memory_space<hbm>> -> memref<8x32xf32, #tpu.memory_space<hbm>>
      %dma_start3A_9 = arith.constant 0 : i32
      %dma_start3A_10 = tpu.memref_slice %arg4[%mul3A_2, %dma_start3A_9] : memref<256x32xf32, #tpu.memory_space<hbm>> -> memref<8x32xf32, #tpu.memory_space<hbm>>
      tpu.enqueue_dma source(%arg6 : memref<8x32xf32, #tpu.memory_space<vmem>>) target(%dma_start3A_10 : memref<8x32xf32, #tpu.memory_space<hbm>>) target_semaphore(%run_scoped3A : memref<!tpu.dma_semaphore, #tpu.memory_space<semaphore_mem>>)
      %dma_wait3A_11 = arith.constant 0 : i32
      %dma_wait3A_12 = tpu.memref_slice %arg4[%mul3A_2, %dma_wait3A_11] : memref<256x32xf32, #tpu.memory_space<hbm>> -> memref<8x32xf32, #tpu.memory_space<hbm>>
      %dma_wait3A_13 = arith.constant 0 : i32
      %dma_wait3A_14 = tpu.memref_slice %arg4[%mul3A_2, %dma_wait3A_13] : memref<256x32xf32, #tpu.memory_space<hbm>> -> memref<8x32xf32, #tpu.memory_space<hbm>>
      tpu.wait_dma2 semaphore(%run_scoped3A : memref<!tpu.dma_semaphore, #tpu.memory_space<semaphore_mem>>) src(%arg6 : memref<8x32xf32, #tpu.memory_space<vmem>>) dst(%dma_wait3A_14 : memref<8x32xf32, #tpu.memory_space<hbm>>)
      tpu.yield
    }) : () -> ()
    return
  }
}

module attributes {stable_mosaic.version = 14 : i64} {
  func.func @_mm_body(%arg0: memref<8192x16xf32, #tpu.memory_space<vmem>>, %arg1: memref<16x32xf32, #tpu.memory_space<vmem>>, %arg2: memref<1x32xf32, #tpu.memory_space<vmem>>, %arg3: memref<8192x32xf32, #tpu.memory_space<vmem>>) attributes {dimension_semantics = [], scalar_prefetch = 0 : i64, scratch_operands = 0 : i64, tpu.core_type = #tpu.core_type<tc>} {
    %get3A = arith.constant 0 : index
    %get3A_0 = arith.constant 0 : index
    %get3A_1 = vector.load %arg0[%get3A, %get3A_0] : memref<8192x16xf32, #tpu.memory_space<vmem>>, vector<8192x16xf32>
    %get3A_2 = arith.constant 0 : index
    %get3A_3 = arith.constant 0 : index
    %get3A_4 = vector.load %arg1[%get3A_2, %get3A_3] : memref<16x32xf32, #tpu.memory_space<vmem>>, vector<16x32xf32>
    %dot_general3A = arith.constant dense<0.000000e+00> : vector<8192x32xf32>
    %dot_general3A_5 = tpu.matmul %get3A_1, %get3A_4, %dot_general3A {dimension_numbers = #tpu.dot_dimension_numbers<[1], [0], [0], [1], [0, 0, 1, 1], [], []>, precision = #tpu.contract_precision<fp32>, transpose_lhs_hint = false} : vector<8192x16xf32>, vector<16x32xf32>, vector<8192x32xf32> -> vector<8192x32xf32>
    %get3A_6 = arith.constant 0 : index
    %get3A_7 = arith.constant 0 : index
    %get3A_8 = vector.load %arg2[%get3A_6, %get3A_7] : memref<1x32xf32, #tpu.memory_space<vmem>>, vector<1x32xf32>
    %add3A = vector.broadcast %get3A_8 : vector<1x32xf32> to vector<8192x32xf32>
    %add3A_9 = arith.addf %dot_general3A_5, %add3A : vector<8192x32xf32>
    %max3A = arith.constant 0.000000e+00 : f32
    %max3A_10 = vector.broadcast %max3A : f32 to vector<8192x32xf32>
    %max3A_11 = arith.maximumf %add3A_9, %max3A_10 : vector<8192x32xf32>
    %swap3A = arith.constant 0 : index
    %swap3A_12 = arith.constant 0 : index
    %swap3A_13 = vector.load %arg3[%swap3A, %swap3A_12] : memref<8192x32xf32, #tpu.memory_space<vmem>>, vector<8192x32xf32>
    tpu.vector_store %arg3[%swap3A, %swap3A_12], %max3A_11 {strides = array<i32>} : memref<8192x32xf32, #tpu.memory_space<vmem>>, vector<8192x32xf32>,
    return
  }
}

module attributes {stable_mosaic.version = 14 : i64} {
  func.func @_conv2_body(%arg0: i32, %arg1: memref<1x32x32x32xf32, #tpu.memory_space<vmem>>, %arg2: memref<4x4x32x64xf32, #tpu.memory_space<vmem>>, %arg3: memref<1x64xf32, #tpu.memory_space<vmem>>, %arg4: memref<256x64xf32, #tpu.memory_space<vmem>>) attributes {dimension_semantics = [#tpu.dimension_semantics<arbitrary>], iteration_bounds = array<i64: 8>, scalar_prefetch = 0 : i64, scratch_operands = 0 : i64, tpu.core_type = #tpu.core_type<tc>, window_params = [{transform_indices = @transform_0, window_bounds = array<i64: 1, 32, 32, 32>}, {pipeline_mode = #tpu.pipeline_mode<synchronous>, transform_indices = @transform_1, window_bounds = array<i64: 4, 4, 32, 64>}, {pipeline_mode = #tpu.pipeline_mode<synchronous>, transform_indices = @transform_2, window_bounds = array<i64: 1, 64>}, {transform_indices = @transform_3, window_bounds = array<i64: 256, 64>}]} {
    %get3A = arith.constant 0 : index
    %get3A_0 = arith.constant 0 : index
    %get3A_1 = arith.constant 0 : index
    %get3A_2 = arith.constant 0 : index
    %get3A_3 = vector.load %arg1[%get3A, %get3A_0, %get3A_1, %get3A_2] : memref<1x32x32x32xf32, #tpu.memory_space<vmem>>, vector<1x32x32x32xf32>
    %get3A_4 = vector.shape_cast %get3A_3 : vector<1x32x32x32xf32> to vector<32x32x32xf32>
    %reshape3A = vector.shape_cast %get3A_4 : vector<32x32x32xf32> to vector<16x2x32x32xf32>
    %slice3A = vector.extract_strided_slice %reshape3A {offsets = [0, 1, 0, 0], sizes = [16, 1, 32, 32], strides = [1, 1, 1, 1]} : vector<16x2x32x32xf32> to vector<16x1x32x32xf32>
    %squeeze3A = vector.shape_cast %slice3A : vector<16x1x32x32xf32> to vector<16x32x32xf32>
    %broadcast_in_dim3A = arith.constant 0.000000e+00 : f32
    %broadcast_in_dim3A_5 = vector.broadcast %broadcast_in_dim3A : f32 to vector<1x32x32xf32>
    %slice3A_6 = vector.extract_strided_slice %squeeze3A {offsets = [0, 0, 0], sizes = [15, 32, 32], strides = [1, 1, 1]} : vector<16x32x32xf32> to vector<15x32x32xf32>
    %concatenate3A = tpu.concatenate %broadcast_in_dim3A_5, %slice3A_6 in 0 : vector<1x32x32xf32>, vector<15x32x32xf32> -> vector<16x32x32xf32>
    %reshape3A_7 = vector.shape_cast %get3A_4 : vector<32x32x32xf32> to vector<16x2x32x32xf32>
    %slice3A_8 = vector.extract_strided_slice %reshape3A_7 {offsets = [0, 0, 0, 0], sizes = [16, 1, 32, 32], strides = [1, 1, 1, 1]} : vector<16x2x32x32xf32> to vector<16x1x32x32xf32>
    %squeeze3A_9 = vector.shape_cast %slice3A_8 : vector<16x1x32x32xf32> to vector<16x32x32xf32>
    %reshape3A_10 = vector.shape_cast %get3A_4 : vector<32x32x32xf32> to vector<16x2x32x32xf32>
    %slice3A_11 = vector.extract_strided_slice %reshape3A_10 {offsets = [0, 1, 0, 0], sizes = [16, 1, 32, 32], strides = [1, 1, 1, 1]} : vector<16x2x32x32xf32> to vector<16x1x32x32xf32>
    %squeeze3A_12 = vector.shape_cast %slice3A_11 : vector<16x1x32x32xf32> to vector<16x32x32xf32>
    %reshape3A_13 = vector.shape_cast %get3A_4 : vector<32x32x32xf32> to vector<16x2x32x32xf32>
    %slice3A_14 = vector.extract_strided_slice %reshape3A_13 {offsets = [0, 0, 0, 0], sizes = [16, 1, 32, 32], strides = [1, 1, 1, 1]} : vector<16x2x32x32xf32> to vector<16x1x32x32xf32>
    %squeeze3A_15 = vector.shape_cast %slice3A_14 : vector<16x1x32x32xf32> to vector<16x32x32xf32>
    %slice3A_16 = vector.extract_strided_slice %squeeze3A_15 {offsets = [1, 0, 0], sizes = [15, 32, 32], strides = [1, 1, 1]} : vector<16x32x32xf32> to vector<15x32x32xf32>
    %broadcast_in_dim3A_17 = arith.constant 0.000000e+00 : f32
    %broadcast_in_dim3A_18 = vector.broadcast %broadcast_in_dim3A_17 : f32 to vector<1x32x32xf32>
    %concatenate3A_19 = tpu.concatenate %slice3A_16, %broadcast_in_dim3A_18 in 0 : vector<15x32x32xf32>, vector<1x32x32xf32> -> vector<16x32x32xf32>
    %reshape3A_20 = vector.shape_cast %concatenate3A : vector<16x32x32xf32> to vector<16x16x2x32xf32>
    %slice3A_21 = vector.extract_strided_slice %reshape3A_20 {offsets = [0, 0, 1, 0], sizes = [16, 16, 1, 32], strides = [1, 1, 1, 1]} : vector<16x16x2x32xf32> to vector<16x16x1x32xf32>
    %squeeze3A_22 = vector.shape_cast %slice3A_21 : vector<16x16x1x32xf32> to vector<16x16x32xf32>
    %broadcast_in_dim3A_23 = arith.constant 0.000000e+00 : f32
    %broadcast_in_dim3A_24 = vector.broadcast %broadcast_in_dim3A_23 : f32 to vector<16x1x32xf32>
    %slice3A_25 = vector.extract_strided_slice %squeeze3A_22 {offsets = [0, 0, 0], sizes = [16, 15, 32], strides = [1, 1, 1]} : vector<16x16x32xf32> to vector<16x15x32xf32>
    %concatenate3A_26 = tpu.concatenate %broadcast_in_dim3A_24, %slice3A_25 in 1 : vector<16x1x32xf32>, vector<16x15x32xf32> -> vector<16x16x32xf32>
    %reshape3A_27 = vector.shape_cast %concatenate3A_26 : vector<16x16x32xf32> to vector<256x32xf32>
    %get3A_28 = arith.constant 0 : index
    %get3A_29 = arith.constant 0 : index
    %get3A_30 = arith.constant 0 : index
    %get3A_31 = arith.constant 0 : index
    %get3A_32 = vector.load %arg2[%get3A_28, %get3A_29, %get3A_30, %get3A_31] : memref<4x4x32x64xf32, #tpu.memory_space<vmem>>, vector<1x1x32x64xf32>
    %get3A_33 = vector.shape_cast %get3A_32 : vector<1x1x32x64xf32> to vector<32x64xf32>
    %dot_general3A = arith.constant dense<0.000000e+00> : vector<256x64xf32>
    %dot_general3A_34 = tpu.matmul %reshape3A_27, %get3A_33, %dot_general3A {dimension_numbers = #tpu.dot_dimension_numbers<[1], [0], [0], [1], [0, 0, 1, 1], [], []>, precision = #tpu.contract_precision<fp32>, transpose_lhs_hint = false} : vector<256x32xf32>, vector<32x64xf32>, vector<256x64xf32> -> vector<256x64xf32>
    %reshape3A_35 = vector.shape_cast %concatenate3A : vector<16x32x32xf32> to vector<16x16x2x32xf32>
    %slice3A_36 = vector.extract_strided_slice %reshape3A_35 {offsets = [0, 0, 0, 0], sizes = [16, 16, 1, 32], strides = [1, 1, 1, 1]} : vector<16x16x2x32xf32> to vector<16x16x1x32xf32>
    %squeeze3A_37 = vector.shape_cast %slice3A_36 : vector<16x16x1x32xf32> to vector<16x16x32xf32>
    %reshape3A_38 = vector.shape_cast %squeeze3A_37 : vector<16x16x32xf32> to vector<256x32xf32>
    %get3A_39 = arith.constant 0 : index
    %get3A_40 = arith.constant 1 : index
    %get3A_41 = arith.constant 0 : index
    %get3A_42 = arith.constant 0 : index
    %get3A_43 = vector.load %arg2[%get3A_39, %get3A_40, %get3A_41, %get3A_42] : memref<4x4x32x64xf32, #tpu.memory_space<vmem>>, vector<1x1x32x64xf32>
    %get3A_44 = vector.shape_cast %get3A_43 : vector<1x1x32x64xf32> to vector<32x64xf32>
    %dot_general3A_45 = arith.constant dense<0.000000e+00> : vector<256x64xf32>
    %dot_general3A_46 = tpu.matmul %reshape3A_38, %get3A_44, %dot_general3A_45 {dimension_numbers = #tpu.dot_dimension_numbers<[1], [0], [0], [1], [0, 0, 1, 1], [], []>, precision = #tpu.contract_precision<fp32>, transpose_lhs_hint = false} : vector<256x32xf32>, vector<32x64xf32>, vector<256x64xf32> -> vector<256x64xf32>
    %add3A = arith.addf %dot_general3A_34, %dot_general3A_46 : vector<256x64xf32>
    %reshape3A_47 = vector.shape_cast %concatenate3A : vector<16x32x32xf32> to vector<16x16x2x32xf32>
    %slice3A_48 = vector.extract_strided_slice %reshape3A_47 {offsets = [0, 0, 1, 0], sizes = [16, 16, 1, 32], strides = [1, 1, 1, 1]} : vector<16x16x2x32xf32> to vector<16x16x1x32xf32>
    %squeeze3A_49 = vector.shape_cast %slice3A_48 : vector<16x16x1x32xf32> to vector<16x16x32xf32>
    %reshape3A_50 = vector.shape_cast %squeeze3A_49 : vector<16x16x32xf32> to vector<256x32xf32>
    %get3A_51 = arith.constant 0 : index
    %get3A_52 = arith.constant 2 : index
    %get3A_53 = arith.constant 0 : index
    %get3A_54 = arith.constant 0 : index
    %get3A_55 = vector.load %arg2[%get3A_51, %get3A_52, %get3A_53, %get3A_54] : memref<4x4x32x64xf32, #tpu.memory_space<vmem>>, vector<1x1x32x64xf32>
    %get3A_56 = vector.shape_cast %get3A_55 : vector<1x1x32x64xf32> to vector<32x64xf32>
    %dot_general3A_57 = arith.constant dense<0.000000e+00> : vector<256x64xf32>
    %dot_general3A_58 = tpu.matmul %reshape3A_50, %get3A_56, %dot_general3A_57 {dimension_numbers = #tpu.dot_dimension_numbers<[1], [0], [0], [1], [0, 0, 1, 1], [], []>, precision = #tpu.contract_precision<fp32>, transpose_lhs_hint = false} : vector<256x32xf32>, vector<32x64xf32>, vector<256x64xf32> -> vector<256x64xf32>
    %add3A_59 = arith.addf %add3A, %dot_general3A_58 : vector<256x64xf32>
    %reshape3A_60 = vector.shape_cast %concatenate3A : vector<16x32x32xf32> to vector<16x16x2x32xf32>
    %slice3A_61 = vector.extract_strided_slice %reshape3A_60 {offsets = [0, 0, 0, 0], sizes = [16, 16, 1, 32], strides = [1, 1, 1, 1]} : vector<16x16x2x32xf32> to vector<16x16x1x32xf32>
    %squeeze3A_62 = vector.shape_cast %slice3A_61 : vector<16x16x1x32xf32> to vector<16x16x32xf32>
    %slice3A_63 = vector.extract_strided_slice %squeeze3A_62 {offsets = [0, 1, 0], sizes = [16, 15, 32], strides = [1, 1, 1]} : vector<16x16x32xf32> to vector<16x15x32xf32>
    %broadcast_in_dim3A_64 = arith.constant 0.000000e+00 : f32
    %broadcast_in_dim3A_65 = vector.broadcast %broadcast_in_dim3A_64 : f32 to vector<16x1x32xf32>
    %concatenate3A_66 = tpu.concatenate %slice3A_63, %broadcast_in_dim3A_65 in 1 : vector<16x15x32xf32>, vector<16x1x32xf32> -> vector<16x16x32xf32>
    %reshape3A_67 = vector.shape_cast %concatenate3A_66 : vector<16x16x32xf32> to vector<256x32xf32>
    %get3A_68 = arith.constant 0 : index
    %get3A_69 = arith.constant 3 : index
    %get3A_70 = arith.constant 0 : index
    %get3A_71 = arith.constant 0 : index
    %get3A_72 = vector.load %arg2[%get3A_68, %get3A_69, %get3A_70, %get3A_71] : memref<4x4x32x64xf32, #tpu.memory_space<vmem>>, vector<1x1x32x64xf32>
    %get3A_73 = vector.shape_cast %get3A_72 : vector<1x1x32x64xf32> to vector<32x64xf32>
    %dot_general3A_74 = arith.constant dense<0.000000e+00> : vector<256x64xf32>
    %dot_general3A_75 = tpu.matmul %reshape3A_67, %get3A_73, %dot_general3A_74 {dimension_numbers = #tpu.dot_dimension_numbers<[1], [0], [0], [1], [0, 0, 1, 1], [], []>, precision = #tpu.contract_precision<fp32>, transpose_lhs_hint = false} : vector<256x32xf32>, vector<32x64xf32>, vector<256x64xf32> -> vector<256x64xf32>
    %add3A_76 = arith.addf %add3A_59, %dot_general3A_75 : vector<256x64xf32>
    %reshape3A_77 = vector.shape_cast %squeeze3A_9 : vector<16x32x32xf32> to vector<16x16x2x32xf32>
    %slice3A_78 = vector.extract_strided_slice %reshape3A_77 {offsets = [0, 0, 1, 0], sizes = [16, 16, 1, 32], strides = [1, 1, 1, 1]} : vector<16x16x2x32xf32> to vector<16x16x1x32xf32>
    %squeeze3A_79 = vector.shape_cast %slice3A_78 : vector<16x16x1x32xf32> to vector<16x16x32xf32>
    %broadcast_in_dim3A_80 = arith.constant 0.000000e+00 : f32
    %broadcast_in_dim3A_81 = vector.broadcast %broadcast_in_dim3A_80 : f32 to vector<16x1x32xf32>
    %slice3A_82 = vector.extract_strided_slice %squeeze3A_79 {offsets = [0, 0, 0], sizes = [16, 15, 32], strides = [1, 1, 1]} : vector<16x16x32xf32> to vector<16x15x32xf32>
    %concatenate3A_83 = tpu.concatenate %broadcast_in_dim3A_81, %slice3A_82 in 1 : vector<16x1x32xf32>, vector<16x15x32xf32> -> vector<16x16x32xf32>
    %reshape3A_84 = vector.shape_cast %concatenate3A_83 : vector<16x16x32xf32> to vector<256x32xf32>
    %get3A_85 = arith.constant 1 : index
    %get3A_86 = arith.constant 0 : index
    %get3A_87 = arith.constant 0 : index
    %get3A_88 = arith.constant 0 : index
    %get3A_89 = vector.load %arg2[%get3A_85, %get3A_86, %get3A_87, %get3A_88] : memref<4x4x32x64xf32, #tpu.memory_space<vmem>>, vector<1x1x32x64xf32>
    %get3A_90 = vector.shape_cast %get3A_89 : vector<1x1x32x64xf32> to vector<32x64xf32>
    %dot_general3A_91 = arith.constant dense<0.000000e+00> : vector<256x64xf32>
    %dot_general3A_92 = tpu.matmul %reshape3A_84, %get3A_90, %dot_general3A_91 {dimension_numbers = #tpu.dot_dimension_numbers<[1], [0], [0], [1], [0, 0, 1, 1], [], []>, precision = #tpu.contract_precision<fp32>, transpose_lhs_hint = false} : vector<256x32xf32>, vector<32x64xf32>, vector<256x64xf32> -> vector<256x64xf32>
    %add3A_93 = arith.addf %add3A_76, %dot_general3A_92 : vector<256x64xf32>
    %reshape3A_94 = vector.shape_cast %squeeze3A_9 : vector<16x32x32xf32> to vector<16x16x2x32xf32>
    %slice3A_95 = vector.extract_strided_slice %reshape3A_94 {offsets = [0, 0, 0, 0], sizes = [16, 16, 1, 32], strides = [1, 1, 1, 1]} : vector<16x16x2x32xf32> to vector<16x16x1x32xf32>
    %squeeze3A_96 = vector.shape_cast %slice3A_95 : vector<16x16x1x32xf32> to vector<16x16x32xf32>
    %reshape3A_97 = vector.shape_cast %squeeze3A_96 : vector<16x16x32xf32> to vector<256x32xf32>
    %get3A_98 = arith.constant 1 : index
    %get3A_99 = arith.constant 1 : index
    %get3A_100 = arith.constant 0 : index
    %get3A_101 = arith.constant 0 : index
    %get3A_102 = vector.load %arg2[%get3A_98, %get3A_99, %get3A_100, %get3A_101] : memref<4x4x32x64xf32, #tpu.memory_space<vmem>>, vector<1x1x32x64xf32>
    %get3A_103 = vector.shape_cast %get3A_102 : vector<1x1x32x64xf32> to vector<32x64xf32>
    %dot_general3A_104 = arith.constant dense<0.000000e+00> : vector<256x64xf32>
    %dot_general3A_105 = tpu.matmul %reshape3A_97, %get3A_103, %dot_general3A_104 {dimension_numbers = #tpu.dot_dimension_numbers<[1], [0], [0], [1], [0, 0, 1, 1], [], []>, precision = #tpu.contract_precision<fp32>, transpose_lhs_hint = false} : vector<256x32xf32>, vector<32x64xf32>, vector<256x64xf32> -> vector<256x64xf32>
    %add3A_106 = arith.addf %add3A_93, %dot_general3A_105 : vector<256x64xf32>
    %reshape3A_107 = vector.shape_cast %squeeze3A_9 : vector<16x32x32xf32> to vector<16x16x2x32xf32>
    %slice3A_108 = vector.extract_strided_slice %reshape3A_107 {offsets = [0, 0, 1, 0], sizes = [16, 16, 1, 32], strides = [1, 1, 1, 1]} : vector<16x16x2x32xf32> to vector<16x16x1x32xf32>
    %squeeze3A_109 = vector.shape_cast %slice3A_108 : vector<16x16x1x32xf32> to vector<16x16x32xf32>
    %reshape3A_110 = vector.shape_cast %squeeze3A_109 : vector<16x16x32xf32> to vector<256x32xf32>
    %get3A_111 = arith.constant 1 : index
    %get3A_112 = arith.constant 2 : index
    %get3A_113 = arith.constant 0 : index
    %get3A_114 = arith.constant 0 : index
    %get3A_115 = vector.load %arg2[%get3A_111, %get3A_112, %get3A_113, %get3A_114] : memref<4x4x32x64xf32, #tpu.memory_space<vmem>>, vector<1x1x32x64xf32>
    %get3A_116 = vector.shape_cast %get3A_115 : vector<1x1x32x64xf32> to vector<32x64xf32>
    %dot_general3A_117 = arith.constant dense<0.000000e+00> : vector<256x64xf32>
    %dot_general3A_118 = tpu.matmul %reshape3A_110, %get3A_116, %dot_general3A_117 {dimension_numbers = #tpu.dot_dimension_numbers<[1], [0], [0], [1], [0, 0, 1, 1], [], []>, precision = #tpu.contract_precision<fp32>, transpose_lhs_hint = false} : vector<256x32xf32>, vector<32x64xf32>, vector<256x64xf32> -> vector<256x64xf32>
    %add3A_119 = arith.addf %add3A_106, %dot_general3A_118 : vector<256x64xf32>
    %reshape3A_120 = vector.shape_cast %squeeze3A_9 : vector<16x32x32xf32> to vector<16x16x2x32xf32>
    %slice3A_121 = vector.extract_strided_slice %reshape3A_120 {offsets = [0, 0, 0, 0], sizes = [16, 16, 1, 32], strides = [1, 1, 1, 1]} : vector<16x16x2x32xf32> to vector<16x16x1x32xf32>
    %squeeze3A_122 = vector.shape_cast %slice3A_121 : vector<16x16x1x32xf32> to vector<16x16x32xf32>
    %slice3A_123 = vector.extract_strided_slice %squeeze3A_122 {offsets = [0, 1, 0], sizes = [16, 15, 32], strides = [1, 1, 1]} : vector<16x16x32xf32> to vector<16x15x32xf32>
    %broadcast_in_dim3A_124 = arith.constant 0.000000e+00 : f32
    %broadcast_in_dim3A_125 = vector.broadcast %broadcast_in_dim3A_124 : f32 to vector<16x1x32xf32>
    %concatenate3A_126 = tpu.concatenate %slice3A_123, %broadcast_in_dim3A_125 in 1 : vector<16x15x32xf32>, vector<16x1x32xf32> -> vector<16x16x32xf32>
    %reshape3A_127 = vector.shape_cast %concatenate3A_126 : vector<16x16x32xf32> to vector<256x32xf32>
    %get3A_128 = arith.constant 1 : index
    %get3A_129 = arith.constant 3 : index
    %get3A_130 = arith.constant 0 : index
    %get3A_131 = arith.constant 0 : index
    %get3A_132 = vector.load %arg2[%get3A_128, %get3A_129, %get3A_130, %get3A_131] : memref<4x4x32x64xf32, #tpu.memory_space<vmem>>, vector<1x1x32x64xf32>
    %get3A_133 = vector.shape_cast %get3A_132 : vector<1x1x32x64xf32> to vector<32x64xf32>
    %dot_general3A_134 = arith.constant dense<0.000000e+00> : vector<256x64xf32>
    %dot_general3A_135 = tpu.matmul %reshape3A_127, %get3A_133, %dot_general3A_134 {dimension_numbers = #tpu.dot_dimension_numbers<[1], [0], [0], [1], [0, 0, 1, 1], [], []>, precision = #tpu.contract_precision<fp32>, transpose_lhs_hint = false} : vector<256x32xf32>, vector<32x64xf32>, vector<256x64xf32> -> vector<256x64xf32>
    %add3A_136 = arith.addf %add3A_119, %dot_general3A_135 : vector<256x64xf32>
    %reshape3A_137 = vector.shape_cast %squeeze3A_12 : vector<16x32x32xf32> to vector<16x16x2x32xf32>
    %slice3A_138 = vector.extract_strided_slice %reshape3A_137 {offsets = [0, 0, 1, 0], sizes = [16, 16, 1, 32], strides = [1, 1, 1, 1]} : vector<16x16x2x32xf32> to vector<16x16x1x32xf32>
    %squeeze3A_139 = vector.shape_cast %slice3A_138 : vector<16x16x1x32xf32> to vector<16x16x32xf32>
    %broadcast_in_dim3A_140 = arith.constant 0.000000e+00 : f32
    %broadcast_in_dim3A_141 = vector.broadcast %broadcast_in_dim3A_140 : f32 to vector<16x1x32xf32>
    %slice3A_142 = vector.extract_strided_slice %squeeze3A_139 {offsets = [0, 0, 0], sizes = [16, 15, 32], strides = [1, 1, 1]} : vector<16x16x32xf32> to vector<16x15x32xf32>
    %concatenate3A_143 = tpu.concatenate %broadcast_in_dim3A_141, %slice3A_142 in 1 : vector<16x1x32xf32>, vector<16x15x32xf32> -> vector<16x16x32xf32>
    %reshape3A_144 = vector.shape_cast %concatenate3A_143 : vector<16x16x32xf32> to vector<256x32xf32>
    %get3A_145 = arith.constant 2 : index
    %get3A_146 = arith.constant 0 : index
    %get3A_147 = arith.constant 0 : index
    %get3A_148 = arith.constant 0 : index
    %get3A_149 = vector.load %arg2[%get3A_145, %get3A_146, %get3A_147, %get3A_148] : memref<4x4x32x64xf32, #tpu.memory_space<vmem>>, vector<1x1x32x64xf32>
    %get3A_150 = vector.shape_cast %get3A_149 : vector<1x1x32x64xf32> to vector<32x64xf32>
    %dot_general3A_151 = arith.constant dense<0.000000e+00> : vector<256x64xf32>
    %dot_general3A_152 = tpu.matmul %reshape3A_144, %get3A_150, %dot_general3A_151 {dimension_numbers = #tpu.dot_dimension_numbers<[1], [0], [0], [1], [0, 0, 1, 1], [], []>, precision = #tpu.contract_precision<fp32>, transpose_lhs_hint = false} : vector<256x32xf32>, vector<32x64xf32>, vector<256x64xf32> -> vector<256x64xf32>
    %add3A_153 = arith.addf %add3A_136, %dot_general3A_152 : vector<256x64xf32>
    %reshape3A_154 = vector.shape_cast %squeeze3A_12 : vector<16x32x32xf32> to vector<16x16x2x32xf32>
    %slice3A_155 = vector.extract_strided_slice %reshape3A_154 {offsets = [0, 0, 0, 0], sizes = [16, 16, 1, 32], strides = [1, 1, 1, 1]} : vector<16x16x2x32xf32> to vector<16x16x1x32xf32>
    %squeeze3A_156 = vector.shape_cast %slice3A_155 : vector<16x16x1x32xf32> to vector<16x16x32xf32>
    %reshape3A_157 = vector.shape_cast %squeeze3A_156 : vector<16x16x32xf32> to vector<256x32xf32>
    %get3A_158 = arith.constant 2 : index
    %get3A_159 = arith.constant 1 : index
    %get3A_160 = arith.constant 0 : index
    %get3A_161 = arith.constant 0 : index
    %get3A_162 = vector.load %arg2[%get3A_158, %get3A_159, %get3A_160, %get3A_161] : memref<4x4x32x64xf32, #tpu.memory_space<vmem>>, vector<1x1x32x64xf32>
    %get3A_163 = vector.shape_cast %get3A_162 : vector<1x1x32x64xf32> to vector<32x64xf32>
    %dot_general3A_164 = arith.constant dense<0.000000e+00> : vector<256x64xf32>
    %dot_general3A_165 = tpu.matmul %reshape3A_157, %get3A_163, %dot_general3A_164 {dimension_numbers = #tpu.dot_dimension_numbers<[1], [0], [0], [1], [0, 0, 1, 1], [], []>, precision = #tpu.contract_precision<fp32>, transpose_lhs_hint = false} : vector<256x32xf32>, vector<32x64xf32>, vector<256x64xf32> -> vector<256x64xf32>
    %add3A_166 = arith.addf %add3A_153, %dot_general3A_165 : vector<256x64xf32>
    %reshape3A_167 = vector.shape_cast %squeeze3A_12 : vector<16x32x32xf32> to vector<16x16x2x32xf32>
    %slice3A_168 = vector.extract_strided_slice %reshape3A_167 {offsets = [0, 0, 1, 0], sizes = [16, 16, 1, 32], strides = [1, 1, 1, 1]} : vector<16x16x2x32xf32> to vector<16x16x1x32xf32>
    %squeeze3A_169 = vector.shape_cast %slice3A_168 : vector<16x16x1x32xf32> to vector<16x16x32xf32>
    %reshape3A_170 = vector.shape_cast %squeeze3A_169 : vector<16x16x32xf32> to vector<256x32xf32>
    %get3A_171 = arith.constant 2 : index
    %get3A_172 = arith.constant 2 : index
    %get3A_173 = arith.constant 0 : index
    %get3A_174 = arith.constant 0 : index
    %get3A_175 = vector.load %arg2[%get3A_171, %get3A_172, %get3A_173, %get3A_174] : memref<4x4x32x64xf32, #tpu.memory_space<vmem>>, vector<1x1x32x64xf32>
    %get3A_176 = vector.shape_cast %get3A_175 : vector<1x1x32x64xf32> to vector<32x64xf32>
    %dot_general3A_177 = arith.constant dense<0.000000e+00> : vector<256x64xf32>
    %dot_general3A_178 = tpu.matmul %reshape3A_170, %get3A_176, %dot_general3A_177 {dimension_numbers = #tpu.dot_dimension_numbers<[1], [0], [0], [1], [0, 0, 1, 1], [], []>, precision = #tpu.contract_precision<fp32>, transpose_lhs_hint = false} : vector<256x32xf32>, vector<32x64xf32>, vector<256x64xf32> -> vector<256x64xf32>
    %add3A_179 = arith.addf %add3A_166, %dot_general3A_178 : vector<256x64xf32>
    %reshape3A_180 = vector.shape_cast %squeeze3A_12 : vector<16x32x32xf32> to vector<16x16x2x32xf32>
    %slice3A_181 = vector.extract_strided_slice %reshape3A_180 {offsets = [0, 0, 0, 0], sizes = [16, 16, 1, 32], strides = [1, 1, 1, 1]} : vector<16x16x2x32xf32> to vector<16x16x1x32xf32>
    %squeeze3A_182 = vector.shape_cast %slice3A_181 : vector<16x16x1x32xf32> to vector<16x16x32xf32>
    %slice3A_183 = vector.extract_strided_slice %squeeze3A_182 {offsets = [0, 1, 0], sizes = [16, 15, 32], strides = [1, 1, 1]} : vector<16x16x32xf32> to vector<16x15x32xf32>
    %broadcast_in_dim3A_184 = arith.constant 0.000000e+00 : f32
    %broadcast_in_dim3A_185 = vector.broadcast %broadcast_in_dim3A_184 : f32 to vector<16x1x32xf32>
    %concatenate3A_186 = tpu.concatenate %slice3A_183, %broadcast_in_dim3A_185 in 1 : vector<16x15x32xf32>, vector<16x1x32xf32> -> vector<16x16x32xf32>
    %reshape3A_187 = vector.shape_cast %concatenate3A_186 : vector<16x16x32xf32> to vector<256x32xf32>
    %get3A_188 = arith.constant 2 : index
    %get3A_189 = arith.constant 3 : index
    %get3A_190 = arith.constant 0 : index
    %get3A_191 = arith.constant 0 : index
    %get3A_192 = vector.load %arg2[%get3A_188, %get3A_189, %get3A_190, %get3A_191] : memref<4x4x32x64xf32, #tpu.memory_space<vmem>>, vector<1x1x32x64xf32>
    %get3A_193 = vector.shape_cast %get3A_192 : vector<1x1x32x64xf32> to vector<32x64xf32>
    %dot_general3A_194 = arith.constant dense<0.000000e+00> : vector<256x64xf32>
    %dot_general3A_195 = tpu.matmul %reshape3A_187, %get3A_193, %dot_general3A_194 {dimension_numbers = #tpu.dot_dimension_numbers<[1], [0], [0], [1], [0, 0, 1, 1], [], []>, precision = #tpu.contract_precision<fp32>, transpose_lhs_hint = false} : vector<256x32xf32>, vector<32x64xf32>, vector<256x64xf32> -> vector<256x64xf32>
    %add3A_196 = arith.addf %add3A_179, %dot_general3A_195 : vector<256x64xf32>
    %reshape3A_197 = vector.shape_cast %concatenate3A_19 : vector<16x32x32xf32> to vector<16x16x2x32xf32>
    %slice3A_198 = vector.extract_strided_slice %reshape3A_197 {offsets = [0, 0, 1, 0], sizes = [16, 16, 1, 32], strides = [1, 1, 1, 1]} : vector<16x16x2x32xf32> to vector<16x16x1x32xf32>
    %squeeze3A_199 = vector.shape_cast %slice3A_198 : vector<16x16x1x32xf32> to vector<16x16x32xf32>
    %broadcast_in_dim3A_200 = arith.constant 0.000000e+00 : f32
    %broadcast_in_dim3A_201 = vector.broadcast %broadcast_in_dim3A_200 : f32 to vector<16x1x32xf32>
    %slice3A_202 = vector.extract_strided_slice %squeeze3A_199 {offsets = [0, 0, 0], sizes = [16, 15, 32], strides = [1, 1, 1]} : vector<16x16x32xf32> to vector<16x15x32xf32>
    %concatenate3A_203 = tpu.concatenate %broadcast_in_dim3A_201, %slice3A_202 in 1 : vector<16x1x32xf32>, vector<16x15x32xf32> -> vector<16x16x32xf32>
    %reshape3A_204 = vector.shape_cast %concatenate3A_203 : vector<16x16x32xf32> to vector<256x32xf32>
    %get3A_205 = arith.constant 3 : index
    %get3A_206 = arith.constant 0 : index
    %get3A_207 = arith.constant 0 : index
    %get3A_208 = arith.constant 0 : index
    %get3A_209 = vector.load %arg2[%get3A_205, %get3A_206, %get3A_207, %get3A_208] : memref<4x4x32x64xf32, #tpu.memory_space<vmem>>, vector<1x1x32x64xf32>
    %get3A_210 = vector.shape_cast %get3A_209 : vector<1x1x32x64xf32> to vector<32x64xf32>
    %dot_general3A_211 = arith.constant dense<0.000000e+00> : vector<256x64xf32>
    %dot_general3A_212 = tpu.matmul %reshape3A_204, %get3A_210, %dot_general3A_211 {dimension_numbers = #tpu.dot_dimension_numbers<[1], [0], [0], [1], [0, 0, 1, 1], [], []>, precision = #tpu.contract_precision<fp32>, transpose_lhs_hint = false} : vector<256x32xf32>, vector<32x64xf32>, vector<256x64xf32> -> vector<256x64xf32>
    %add3A_213 = arith.addf %add3A_196, %dot_general3A_212 : vector<256x64xf32>
    %reshape3A_214 = vector.shape_cast %concatenate3A_19 : vector<16x32x32xf32> to vector<16x16x2x32xf32>
    %slice3A_215 = vector.extract_strided_slice %reshape3A_214 {offsets = [0, 0, 0, 0], sizes = [16, 16, 1, 32], strides = [1, 1, 1, 1]} : vector<16x16x2x32xf32> to vector<16x16x1x32xf32>
    %squeeze3A_216 = vector.shape_cast %slice3A_215 : vector<16x16x1x32xf32> to vector<16x16x32xf32>
    %reshape3A_217 = vector.shape_cast %squeeze3A_216 : vector<16x16x32xf32> to vector<256x32xf32>
    %get3A_218 = arith.constant 3 : index
    %get3A_219 = arith.constant 1 : index
    %get3A_220 = arith.constant 0 : index
    %get3A_221 = arith.constant 0 : index
    %get3A_222 = vector.load %arg2[%get3A_218, %get3A_219, %get3A_220, %get3A_221] : memref<4x4x32x64xf32, #tpu.memory_space<vmem>>, vector<1x1x32x64xf32>
    %get3A_223 = vector.shape_cast %get3A_222 : vector<1x1x32x64xf32> to vector<32x64xf32>
    %dot_general3A_224 = arith.constant dense<0.000000e+00> : vector<256x64xf32>
    %dot_general3A_225 = tpu.matmul %reshape3A_217, %get3A_223, %dot_general3A_224 {dimension_numbers = #tpu.dot_dimension_numbers<[1], [0], [0], [1], [0, 0, 1, 1], [], []>, precision = #tpu.contract_precision<fp32>, transpose_lhs_hint = false} : vector<256x32xf32>, vector<32x64xf32>, vector<256x64xf32> -> vector<256x64xf32>
    %add3A_226 = arith.addf %add3A_213, %dot_general3A_225 : vector<256x64xf32>
    %reshape3A_227 = vector.shape_cast %concatenate3A_19 : vector<16x32x32xf32> to vector<16x16x2x32xf32>
    %slice3A_228 = vector.extract_strided_slice %reshape3A_227 {offsets = [0, 0, 1, 0], sizes = [16, 16, 1, 32], strides = [1, 1, 1, 1]} : vector<16x16x2x32xf32> to vector<16x16x1x32xf32>
    %squeeze3A_229 = vector.shape_cast %slice3A_228 : vector<16x16x1x32xf32> to vector<16x16x32xf32>
    %reshape3A_230 = vector.shape_cast %squeeze3A_229 : vector<16x16x32xf32> to vector<256x32xf32>
    %get3A_231 = arith.constant 3 : index
    %get3A_232 = arith.constant 2 : index
    %get3A_233 = arith.constant 0 : index
    %get3A_234 = arith.constant 0 : index
    %get3A_235 = vector.load %arg2[%get3A_231, %get3A_232, %get3A_233, %get3A_234] : memref<4x4x32x64xf32, #tpu.memory_space<vmem>>, vector<1x1x32x64xf32>
    %get3A_236 = vector.shape_cast %get3A_235 : vector<1x1x32x64xf32> to vector<32x64xf32>
    %dot_general3A_237 = arith.constant dense<0.000000e+00> : vector<256x64xf32>
    %dot_general3A_238 = tpu.matmul %reshape3A_230, %get3A_236, %dot_general3A_237 {dimension_numbers = #tpu.dot_dimension_numbers<[1], [0], [0], [1], [0, 0, 1, 1], [], []>, precision = #tpu.contract_precision<fp32>, transpose_lhs_hint = false} : vector<256x32xf32>, vector<32x64xf32>, vector<256x64xf32> -> vector<256x64xf32>
    %add3A_239 = arith.addf %add3A_226, %dot_general3A_238 : vector<256x64xf32>
    %reshape3A_240 = vector.shape_cast %concatenate3A_19 : vector<16x32x32xf32> to vector<16x16x2x32xf32>
    %slice3A_241 = vector.extract_strided_slice %reshape3A_240 {offsets = [0, 0, 0, 0], sizes = [16, 16, 1, 32], strides = [1, 1, 1, 1]} : vector<16x16x2x32xf32> to vector<16x16x1x32xf32>
    %squeeze3A_242 = vector.shape_cast %slice3A_241 : vector<16x16x1x32xf32> to vector<16x16x32xf32>
    %slice3A_243 = vector.extract_strided_slice %squeeze3A_242 {offsets = [0, 1, 0], sizes = [16, 15, 32], strides = [1, 1, 1]} : vector<16x16x32xf32> to vector<16x15x32xf32>
    %broadcast_in_dim3A_244 = arith.constant 0.000000e+00 : f32
    %broadcast_in_dim3A_245 = vector.broadcast %broadcast_in_dim3A_244 : f32 to vector<16x1x32xf32>
    %concatenate3A_246 = tpu.concatenate %slice3A_243, %broadcast_in_dim3A_245 in 1 : vector<16x15x32xf32>, vector<16x1x32xf32> -> vector<16x16x32xf32>
    %reshape3A_247 = vector.shape_cast %concatenate3A_246 : vector<16x16x32xf32> to vector<256x32xf32>
    %get3A_248 = arith.constant 3 : index
    %get3A_249 = arith.constant 3 : index
    %get3A_250 = arith.constant 0 : index
    %get3A_251 = arith.constant 0 : index
    %get3A_252 = vector.load %arg2[%get3A_248, %get3A_249, %get3A_250, %get3A_251] : memref<4x4x32x64xf32, #tpu.memory_space<vmem>>, vector<1x1x32x64xf32>
    %get3A_253 = vector.shape_cast %get3A_252 : vector<1x1x32x64xf32> to vector<32x64xf32>
    %dot_general3A_254 = arith.constant dense<0.000000e+00> : vector<256x64xf32>
    %dot_general3A_255 = tpu.matmul %reshape3A_247, %get3A_253, %dot_general3A_254 {dimension_numbers = #tpu.dot_dimension_numbers<[1], [0], [0], [1], [0, 0, 1, 1], [], []>, precision = #tpu.contract_precision<fp32>, transpose_lhs_hint = false} : vector<256x32xf32>, vector<32x64xf32>, vector<256x64xf32> -> vector<256x64xf32>
    %add3A_256 = arith.addf %add3A_239, %dot_general3A_255 : vector<256x64xf32>
    %get3A_257 = arith.constant 0 : index
    %get3A_258 = arith.constant 0 : index
    %get3A_259 = vector.load %arg3[%get3A_257, %get3A_258] : memref<1x64xf32, #tpu.memory_space<vmem>>, vector<1x64xf32>
    %add3A_260 = vector.broadcast %get3A_259 : vector<1x64xf32> to vector<256x64xf32>
    %add3A_261 = arith.addf %add3A_256, %add3A_260 : vector<256x64xf32>
    %max3A = arith.constant 0.000000e+00 : f32
    %max3A_262 = vector.broadcast %max3A : f32 to vector<256x64xf32>
    %max3A_263 = arith.maximumf %add3A_261, %max3A_262 : vector<256x64xf32>
    %swap3A = arith.constant 0 : index
    %swap3A_264 = arith.constant 0 : index
    %swap3A_265 = vector.load %arg4[%swap3A, %swap3A_264] : memref<256x64xf32, #tpu.memory_space<vmem>>, vector<256x64xf32>
    tpu.vector_store %arg4[%swap3A, %swap3A_264], %max3A_263 {strides = array<i32>} : memref<256x64xf32, #tpu.memory_space<vmem>>, vector<256x64xf32>,
    return
  }
  func.func @transform_0(%arg0: i32) -> (i32, i32, i32, i32) {
    %c0_i32 = arith.constant 0 : i32
    %c0_i32_0 = arith.constant 0 : i32
    %c0_i32_1 = arith.constant 0 : i32
    %c0_i32_2 = arith.constant 0 : i32
    return %arg0, %c0_i32, %c0_i32_0, %c0_i32_1 : i32, i32, i32, i32
  }
  func.func @transform_1(%arg0: i32) -> (i32, i32, i32, i32) {
    %c0_i32 = arith.constant 0 : i32
    %c0_i32_0 = arith.constant 0 : i32
    %c0_i32_1 = arith.constant 0 : i32
    %c0_i32_2 = arith.constant 0 : i32
    %c0_i32_3 = arith.constant 0 : i32
    return %c0_i32, %c0_i32_0, %c0_i32_1, %c0_i32_2 : i32, i32, i32, i32
  }
  func.func @transform_2(%arg0: i32) -> (i32, i32) {
    %c0_i32 = arith.constant 0 : i32
    %c0_i32_0 = arith.constant 0 : i32
    %c0_i32_1 = arith.constant 0 : i32
    return %c0_i32, %c0_i32_0 : i32, i32
  }
  func.func @transform_3(%arg0: i32) -> (i32, i32) {
    %c0_i32 = arith.constant 0 : i32
    %c0_i32_0 = arith.constant 0 : i32
    return %arg0, %c0_i32 : i32, i32
  }
}

module attributes {stable_mosaic.version = 14 : i64} {
  func.func @_fc1_body(%arg0: i32, %arg1: memref<8x2048xf32, #tpu.memory_space<vmem>>, %arg2: memref<2048x512xf32, #tpu.memory_space<vmem>>, %arg3: memref<1x512xf32, #tpu.memory_space<vmem>>, %arg4: memref<512x1024xf32, #tpu.memory_space<vmem>>, %arg5: memref<1x1024xf32, #tpu.memory_space<vmem>>, %arg6: memref<8x1024xf32, #tpu.memory_space<vmem>>, %arg7: memref<8x512xf32, #tpu.memory_space<vmem>>) attributes {dimension_semantics = [#tpu.dimension_semantics<arbitrary>], iteration_bounds = array<i64: 8>, scalar_prefetch = 0 : i64, scratch_operands = 1 : i64, tpu.core_type = #tpu.core_type<tc>, window_params = [{transform_indices = @transform_0, window_bounds = array<i64: 8, 2048>}, {transform_indices = @transform_1, window_bounds = array<i64: 2048, 512>}, {pipeline_mode = #tpu.pipeline_mode<synchronous>, transform_indices = @transform_2, window_bounds = array<i64: 1, 512>}, {pipeline_mode = #tpu.pipeline_mode<synchronous>, transform_indices = @transform_3, window_bounds = array<i64: 512, 1024>}, {pipeline_mode = #tpu.pipeline_mode<synchronous>, transform_indices = @transform_4, window_bounds = array<i64: 1, 1024>}, {pipeline_mode = #tpu.pipeline_mode<synchronous>, transform_indices = @transform_5, window_bounds = array<i64: 8, 1024>}]} {
    %eq3A = arith.constant 0 : i32
    %eq3A_0 = arith.cmpi eq, %arg0, %eq3A : i32
    %convert_element_type3A = arith.extui %eq3A_0 : i1 to i32
    %cond3A = arith.constant 0 : i32
    %cond3A_1 = arith.cmpi ne, %convert_element_type3A, %cond3A : i32
    scf.if %cond3A_1 {
      %broadcast_in_dim3A = arith.constant 0.000000e+00 : f32
      %broadcast_in_dim3A_18 = vector.broadcast %broadcast_in_dim3A : f32 to vector<8x512xf32>
      %swap3A_19 = arith.constant 0 : index
      %swap3A_20 = arith.constant 0 : index
      %swap3A_21 = vector.load %arg7[%swap3A_19, %swap3A_20] : memref<8x512xf32, #tpu.memory_space<vmem>>, vector<8x512xf32>
      tpu.vector_store %arg7[%swap3A_19, %swap3A_20], %broadcast_in_dim3A_18 {strides = array<i32>} : memref<8x512xf32, #tpu.memory_space<vmem>>, vector<8x512xf32>,
    } else {
    }
    %get3A = arith.constant 0 : index
    %get3A_2 = arith.constant 0 : index
    %get3A_3 = vector.load %arg7[%get3A, %get3A_2] : memref<8x512xf32, #tpu.memory_space<vmem>>, vector<8x512xf32>
    %get3A_4 = arith.constant 0 : index
    %get3A_5 = arith.constant 0 : index
    %get3A_6 = vector.load %arg1[%get3A_4, %get3A_5] : memref<8x2048xf32, #tpu.memory_space<vmem>>, vector<8x2048xf32>
    %get3A_7 = arith.constant 0 : index
    %get3A_8 = arith.constant 0 : index
    %get3A_9 = vector.load %arg2[%get3A_7, %get3A_8] : memref<2048x512xf32, #tpu.memory_space<vmem>>, vector<2048x512xf32>
    %dot_general3A = arith.constant dense<0.000000e+00> : vector<8x512xf32>
    %dot_general3A_10 = tpu.matmul %get3A_6, %get3A_9, %dot_general3A {dimension_numbers = #tpu.dot_dimension_numbers<[1], [0], [0], [1], [0, 0, 1, 1], [], []>, precision = #tpu.contract_precision<fp32>, transpose_lhs_hint = false} : vector<8x2048xf32>, vector<2048x512xf32>, vector<8x512xf32> -> vector<8x512xf32>
    %add3A = arith.addf %get3A_3, %dot_general3A_10 : vector<8x512xf32>
    %swap3A = arith.constant 0 : index
    %swap3A_11 = arith.constant 0 : index
    %swap3A_12 = vector.load %arg7[%swap3A, %swap3A_11] : memref<8x512xf32, #tpu.memory_space<vmem>>, vector<8x512xf32>
    tpu.vector_store %arg7[%swap3A, %swap3A_11], %add3A {strides = array<i32>} : memref<8x512xf32, #tpu.memory_space<vmem>>, vector<8x512xf32>,
    %eq3A_13 = arith.constant 7 : i32
    %eq3A_14 = arith.cmpi eq, %arg0, %eq3A_13 : i32
    %convert_element_type3A_15 = arith.extui %eq3A_14 : i1 to i32
    %cond3A_16 = arith.constant 0 : i32
    %cond3A_17 = arith.cmpi ne, %convert_element_type3A_15, %cond3A_16 : i32
    scf.if %cond3A_17 {
      %get3A_18 = arith.constant 0 : index
      %get3A_19 = arith.constant 0 : index
      %get3A_20 = vector.load %arg7[%get3A_18, %get3A_19] : memref<8x512xf32, #tpu.memory_space<vmem>>, vector<8x512xf32>
      %get3A_21 = arith.constant 0 : index
      %get3A_22 = arith.constant 0 : index
      %get3A_23 = vector.load %arg3[%get3A_21, %get3A_22] : memref<1x512xf32, #tpu.memory_space<vmem>>, vector<1x512xf32>
      %add3A_24 = vector.broadcast %get3A_23 : vector<1x512xf32> to vector<8x512xf32>
      %add3A_25 = arith.addf %get3A_20, %add3A_24 : vector<8x512xf32>
      %max3A = arith.constant 0.000000e+00 : f32
      %max3A_26 = vector.broadcast %max3A : f32 to vector<8x512xf32>
      %max3A_27 = arith.maximumf %add3A_25, %max3A_26 : vector<8x512xf32>
      %get3A_28 = arith.constant 0 : index
      %get3A_29 = arith.constant 0 : index
      %get3A_30 = vector.load %arg4[%get3A_28, %get3A_29] : memref<512x1024xf32, #tpu.memory_space<vmem>>, vector<512x1024xf32>
      %dot_general3A_31 = arith.constant dense<0.000000e+00> : vector<8x1024xf32>
      %dot_general3A_32 = tpu.matmul %max3A_27, %get3A_30, %dot_general3A_31 {dimension_numbers = #tpu.dot_dimension_numbers<[1], [0], [0], [1], [0, 0, 1, 1], [], []>, precision = #tpu.contract_precision<fp32>, transpose_lhs_hint = false} : vector<8x512xf32>, vector<512x1024xf32>, vector<8x1024xf32> -> vector<8x1024xf32>
      %get3A_33 = arith.constant 0 : index
      %get3A_34 = arith.constant 0 : index
      %get3A_35 = vector.load %arg5[%get3A_33, %get3A_34] : memref<1x1024xf32, #tpu.memory_space<vmem>>, vector<1x1024xf32>
      %add3A_36 = vector.broadcast %get3A_35 : vector<1x1024xf32> to vector<8x1024xf32>
      %add3A_37 = arith.addf %dot_general3A_32, %add3A_36 : vector<8x1024xf32>
      %swap3A_38 = arith.constant 0 : index
      %swap3A_39 = arith.constant 0 : index
      %swap3A_40 = vector.load %arg6[%swap3A_38, %swap3A_39] : memref<8x1024xf32, #tpu.memory_space<vmem>>, vector<8x1024xf32>
      tpu.vector_store %arg6[%swap3A_38, %swap3A_39], %add3A_37 {strides = array<i32>} : memref<8x1024xf32, #tpu.memory_space<vmem>>, vector<8x1024xf32>,
    } else {
    }
    return
  }
  func.func @transform_0(%arg0: i32) -> (i32, i32) {
    %c0_i32 = arith.constant 0 : i32
    %c0_i32_0 = arith.constant 0 : i32
    return %c0_i32, %arg0 : i32, i32
  }
  func.func @transform_1(%arg0: i32) -> (i32, i32) {
    %c0_i32 = arith.constant 0 : i32
    %c0_i32_0 = arith.constant 0 : i32
    return %arg0, %c0_i32 : i32, i32
  }
  func.func @transform_2(%arg0: i32) -> (i32, i32) {
    %c0_i32 = arith.constant 0 : i32
    %c0_i32_0 = arith.constant 0 : i32
    %c0_i32_1 = arith.constant 0 : i32
    return %c0_i32, %c0_i32_0 : i32, i32
  }
  func.func @transform_3(%arg0: i32) -> (i32, i32) {
    %c0_i32 = arith.constant 0 : i32
    %c0_i32_0 = arith.constant 0 : i32
    %c0_i32_1 = arith.constant 0 : i32
    return %c0_i32, %c0_i32_0 : i32, i32
  }
  func.func @transform_4(%arg0: i32) -> (i32, i32) {
    %c0_i32 = arith.constant 0 : i32
    %c0_i32_0 = arith.constant 0 : i32
    %c0_i32_1 = arith.constant 0 : i32
    return %c0_i32, %c0_i32_0 : i32, i32
  }
  func.func @transform_5(%arg0: i32) -> (i32, i32) {
    %c0_i32 = arith.constant 0 : i32
    %c0_i32_0 = arith.constant 0 : i32
    %c0_i32_1 = arith.constant 0 : i32
    return %c0_i32, %c0_i32_0 : i32, i32
  }
}

module attributes {stable_mosaic.version = 14 : i64} {
  func.func @_vq_body(%arg0: i32, %arg1: memref<256x32xf32, #tpu.memory_space<vmem>>, %arg2: memref<4096x32xf32, #tpu.memory_space<vmem>>, %arg3: memref<256x1xi32, #tpu.memory_space<vmem>>, %arg4: memref<256x1xf32, #tpu.memory_space<vmem>>) attributes {dimension_semantics = [#tpu.dimension_semantics<arbitrary>], iteration_bounds = array<i64: 2>, scalar_prefetch = 0 : i64, scratch_operands = 1 : i64, tpu.core_type = #tpu.core_type<tc>, window_params = [{pipeline_mode = #tpu.pipeline_mode<synchronous>, transform_indices = @transform_0, window_bounds = array<i64: 256, 32>}, {transform_indices = @transform_1, window_bounds = array<i64: 4096, 32>}, {pipeline_mode = #tpu.pipeline_mode<synchronous>, transform_indices = @transform_2, window_bounds = array<i64: 256, 1>}]} {
    %eq3A = arith.constant 0 : i32
    %eq3A_0 = arith.cmpi eq, %arg0, %eq3A : i32
    %convert_element_type3A = arith.extui %eq3A_0 : i1 to i32
    %cond3A = arith.constant 0 : i32
    %cond3A_1 = arith.cmpi ne, %convert_element_type3A, %cond3A : i32
    scf.if %cond3A_1 {
      %broadcast_in_dim3A_40 = arith.constant 0x7F800000 : f32
      %broadcast_in_dim3A_41 = vector.broadcast %broadcast_in_dim3A_40 : f32 to vector<256x1xf32>
      %swap3A_42 = arith.constant 0 : index
      %swap3A_43 = arith.constant 0 : index
      %swap3A_44 = vector.load %arg4[%swap3A_42, %swap3A_43] : memref<256x1xf32, #tpu.memory_space<vmem>>, vector<256x1xf32>
      tpu.vector_store %arg4[%swap3A_42, %swap3A_43], %broadcast_in_dim3A_41 {strides = array<i32>} : memref<256x1xf32, #tpu.memory_space<vmem>>, vector<256x1xf32>,
      %broadcast_in_dim3A_45 = arith.constant 0 : i32
      %broadcast_in_dim3A_46 = vector.broadcast %broadcast_in_dim3A_45 : i32 to vector<256x1xi32>
      %swap3A_47 = arith.constant 0 : index
      %swap3A_48 = arith.constant 0 : index
      %swap3A_49 = vector.load %arg3[%swap3A_47, %swap3A_48] : memref<256x1xi32, #tpu.memory_space<vmem>>, vector<256x1xi32>
      tpu.vector_store %arg3[%swap3A_47, %swap3A_48], %broadcast_in_dim3A_46 {strides = array<i32>} : memref<256x1xi32, #tpu.memory_space<vmem>>, vector<256x1xi32>,
    } else {
    }
    %get3A = arith.constant 0 : index
    %get3A_2 = arith.constant 0 : index
    %get3A_3 = vector.load %arg1[%get3A, %get3A_2] : memref<256x32xf32, #tpu.memory_space<vmem>>, vector<256x32xf32>
    %get3A_4 = arith.constant 0 : index
    %get3A_5 = arith.constant 0 : index
    %get3A_6 = vector.load %arg2[%get3A_4, %get3A_5] : memref<4096x32xf32, #tpu.memory_space<vmem>>, vector<4096x32xf32>
    %mul3A = arith.constant -2.000000e+00 : f32
    %mul3A_7 = vector.broadcast %mul3A : f32 to vector<256x32xf32>
    %mul3A_8 = arith.mulf %mul3A_7, %get3A_3 : vector<256x32xf32>
    %broadcast_in_dim3A = arith.constant 1.000000e+00 : f32
    %broadcast_in_dim3A_9 = vector.broadcast %broadcast_in_dim3A : f32 to vector<256x1xf32>
    %concatenate3A = tpu.concatenate %mul3A_8, %broadcast_in_dim3A_9 in 1 : vector<256x32xf32>, vector<256x1xf32> -> vector<256x33xf32>
    %mul3A_10 = arith.mulf %get3A_6, %get3A_6 : vector<4096x32xf32>
    %reduce_sum3A = arith.constant dense<0.000000e+00> : vector<4096xf32>
    %reduce_sum3A_11 = vector.multi_reduction <add>, %mul3A_10, %reduce_sum3A [1] : vector<4096x32xf32> to vector<4096xf32>
    %broadcast_in_dim3A_12 = vector.shape_cast %reduce_sum3A_11 : vector<4096xf32> to vector<4096x1xf32>
    %concatenate3A_13 = tpu.concatenate %get3A_6, %broadcast_in_dim3A_12 in 1 : vector<4096x32xf32>, vector<4096x1xf32> -> vector<4096x33xf32>
    %dot_general3A = arith.constant dense<0.000000e+00> : vector<256x4096xf32>
    %dot_general3A_14 = tpu.matmul %concatenate3A, %concatenate3A_13, %dot_general3A {dimension_numbers = #tpu.dot_dimension_numbers<[1], [1], [0], [0], [0, 0, 1, 0], [], []>, precision = #tpu.contract_precision<fp32>, transpose_lhs_hint = false} : vector<256x33xf32>, vector<4096x33xf32>, vector<256x4096xf32> -> vector<256x4096xf32>
    %reduce_min3A = arith.constant dense<0x7F800000> : vector<256xf32>
    %reduce_min3A_15 = vector.multi_reduction <minimumf>, %dot_general3A_14, %reduce_min3A [1] : vector<256x4096xf32> to vector<256xf32>
    %broadcast_in_dim3A_16 = vector.shape_cast %reduce_min3A_15 : vector<256xf32> to vector<256x1xf32>
    %iota3A = tpu.iota {dimensions = array<i32: 1>} : vector<256x4096xi32>
    %le3A = vector.broadcast %broadcast_in_dim3A_16 : vector<256x1xf32> to vector<256x4096xf32>
    %le3A_17 = arith.cmpf ole, %dot_general3A_14, %le3A : vector<256x4096xf32>
    %jit3A = arith.constant 1073741824 : i32
    %broadcast_in_dim3A_18 = vector.broadcast %jit3A : i32 to vector<256x4096xi32>
    %select_n3A = arith.select %le3A_17, %iota3A, %broadcast_in_dim3A_18 : vector<256x4096xi1>, vector<256x4096xi32>
    %reduce_min3A_19 = arith.constant dense<2147483647> : vector<256xi32>
    %reduce_min3A_20 = vector.multi_reduction <minsi>, %select_n3A, %reduce_min3A_19 [1] : vector<256x4096xi32> to vector<256xi32>
    %broadcast_in_dim3A_21 = vector.shape_cast %reduce_min3A_20 : vector<256xi32> to vector<256x1xi32>
    %get3A_22 = arith.constant 0 : index
    %get3A_23 = arith.constant 0 : index
    %get3A_24 = vector.load %arg4[%get3A_22, %get3A_23] : memref<256x1xf32, #tpu.memory_space<vmem>>, vector<256x1xf32>
    %lt3A = arith.cmpf olt, %broadcast_in_dim3A_16, %get3A_24 : vector<256x1xf32>
    %mul3A_25 = arith.constant 4096 : i32
    %mul3A_26 = arith.muli %arg0, %mul3A_25 : i32
    %add3A = vector.broadcast %mul3A_26 : i32 to vector<256x1xi32>
    %add3A_27 = arith.addi %broadcast_in_dim3A_21, %add3A : vector<256x1xi32>
    %get3A_28 = arith.constant 0 : index
    %get3A_29 = arith.constant 0 : index
    %get3A_30 = vector.load %arg3[%get3A_28, %get3A_29] : memref<256x1xi32, #tpu.memory_space<vmem>>, vector<256x1xi32>
    %select_n3A_31 = arith.select %lt3A, %add3A_27, %get3A_30 : vector<256x1xi1>, vector<256x1xi32>
    %swap3A = arith.constant 0 : index
    %swap3A_32 = arith.constant 0 : index
    %swap3A_33 = vector.load %arg3[%swap3A, %swap3A_32] : memref<256x1xi32, #tpu.memory_space<vmem>>, vector<256x1xi32>
    tpu.vector_store %arg3[%swap3A, %swap3A_32], %select_n3A_31 {strides = array<i32>} : memref<256x1xi32, #tpu.memory_space<vmem>>, vector<256x1xi32>,
    %get3A_34 = arith.constant 0 : index
    %get3A_35 = arith.constant 0 : index
    %get3A_36 = vector.load %arg4[%get3A_34, %get3A_35] : memref<256x1xf32, #tpu.memory_space<vmem>>, vector<256x1xf32>
    %min3A = arith.minimumf %get3A_36, %broadcast_in_dim3A_16 : vector<256x1xf32>
    %swap3A_37 = arith.constant 0 : index
    %swap3A_38 = arith.constant 0 : index
    %swap3A_39 = vector.load %arg4[%swap3A_37, %swap3A_38] : memref<256x1xf32, #tpu.memory_space<vmem>>, vector<256x1xf32>
    tpu.vector_store %arg4[%swap3A_37, %swap3A_38], %min3A {strides = array<i32>} : memref<256x1xf32, #tpu.memory_space<vmem>>, vector<256x1xf32>,
    return
  }
  func.func @transform_0(%arg0: i32) -> (i32, i32) {
    %c0_i32 = arith.constant 0 : i32
    %c0_i32_0 = arith.constant 0 : i32
    %c0_i32_1 = arith.constant 0 : i32
    return %c0_i32, %c0_i32_0 : i32, i32
  }
  func.func @transform_1(%arg0: i32) -> (i32, i32) {
    %c0_i32 = arith.constant 0 : i32
    %c0_i32_0 = arith.constant 0 : i32
    return %arg0, %c0_i32 : i32, i32
  }
  func.func @transform_2(%arg0: i32) -> (i32, i32) {
    %c0_i32 = arith.constant 0 : i32
    %c0_i32_0 = arith.constant 0 : i32
    %c0_i32_1 = arith.constant 0 : i32
    return %c0_i32, %c0_i32_0 : i32, i32
  }
}

module attributes {stable_mosaic.version = 14 : i64} {
  func.func @_dec_body(%arg0: i32, %arg1: memref<8x1024xf32, #tpu.memory_space<vmem>>, %arg2: memref<8x1024xf32, #tpu.memory_space<vmem>>, %arg3: memref<1024x512xf32, #tpu.memory_space<vmem>>, %arg4: memref<1x512xf32, #tpu.memory_space<vmem>>, %arg5: memref<1x8x512x64xf32, #tpu.memory_space<vmem>>, %arg6: memref<1x512xf32, #tpu.memory_space<vmem>>, %arg7: memref<8x512xf32, #tpu.memory_space<vmem>>, %arg8: memref<8x512xf32, #tpu.memory_space<vmem>>) attributes {dimension_semantics = [#tpu.dimension_semantics<arbitrary>], iteration_bounds = array<i64: 8>, scalar_prefetch = 0 : i64, scratch_operands = 1 : i64, tpu.core_type = #tpu.core_type<tc>, window_params = [{pipeline_mode = #tpu.pipeline_mode<synchronous>, transform_indices = @transform_0, window_bounds = array<i64: 8, 1024>}, {pipeline_mode = #tpu.pipeline_mode<synchronous>, transform_indices = @transform_1, window_bounds = array<i64: 8, 1024>}, {pipeline_mode = #tpu.pipeline_mode<synchronous>, transform_indices = @transform_2, window_bounds = array<i64: 1024, 512>}, {pipeline_mode = #tpu.pipeline_mode<synchronous>, transform_indices = @transform_3, window_bounds = array<i64: 1, 512>}, {transform_indices = @transform_4, window_bounds = array<i64: 1, 8, 512, 64>}, {transform_indices = @transform_5, window_bounds = array<i64: 1, 512>}, {transform_indices = @transform_6, window_bounds = array<i64: 8, 512>}]} {
    %eq3A = arith.constant 0 : i32
    %eq3A_0 = arith.cmpi eq, %arg0, %eq3A : i32
    %convert_element_type3A = arith.extui %eq3A_0 : i1 to i32
    %cond3A = arith.constant 0 : i32
    %cond3A_1 = arith.cmpi ne, %convert_element_type3A, %cond3A : i32
    scf.if %cond3A_1 {
      %get3A_75 = arith.constant 0 : index
      %get3A_76 = arith.constant 0 : index
      %get3A_77 = vector.load %arg1[%get3A_75, %get3A_76] : memref<8x1024xf32, #tpu.memory_space<vmem>>, vector<8x1024xf32>
      %neg3A = arith.constant 0.000000e+00 : f32
      %neg3A_78 = vector.broadcast %neg3A : f32 to vector<8x1024xf32>
      %neg3A_79 = arith.subf %neg3A_78, %get3A_77 : vector<8x1024xf32>
      %get3A_80 = arith.constant 0 : index
      %get3A_81 = arith.constant 0 : index
      %get3A_82 = vector.load %arg2[%get3A_80, %get3A_81] : memref<8x1024xf32, #tpu.memory_space<vmem>>, vector<8x1024xf32>
      %add3A_83 = arith.addf %neg3A_79, %get3A_82 : vector<8x1024xf32>
      %get3A_84 = arith.constant 0 : index
      %get3A_85 = arith.constant 0 : index
      %get3A_86 = vector.load %arg1[%get3A_84, %get3A_85] : memref<8x1024xf32, #tpu.memory_space<vmem>>, vector<8x1024xf32>
      %add3A_87 = arith.addf %add3A_83, %get3A_86 : vector<8x1024xf32>
      %get3A_88 = arith.constant 0 : index
      %get3A_89 = arith.constant 0 : index
      %get3A_90 = vector.load %arg3[%get3A_88, %get3A_89] : memref<1024x512xf32, #tpu.memory_space<vmem>>, vector<1024x512xf32>
      %dot_general3A_91 = arith.constant dense<0.000000e+00> : vector<8x512xf32>
      %dot_general3A_92 = tpu.matmul %add3A_87, %get3A_90, %dot_general3A_91 {dimension_numbers = #tpu.dot_dimension_numbers<[1], [0], [0], [1], [0, 0, 1, 1], [], []>, precision = #tpu.contract_precision<fp32>, transpose_lhs_hint = false} : vector<8x1024xf32>, vector<1024x512xf32>, vector<8x512xf32> -> vector<8x512xf32>
      %get3A_93 = arith.constant 0 : index
      %get3A_94 = arith.constant 0 : index
      %get3A_95 = vector.load %arg4[%get3A_93, %get3A_94] : memref<1x512xf32, #tpu.memory_space<vmem>>, vector<1x512xf32>
      %add3A_96 = vector.broadcast %get3A_95 : vector<1x512xf32> to vector<8x512xf32>
      %add3A_97 = arith.addf %dot_general3A_92, %add3A_96 : vector<8x512xf32>
      %max3A_98 = arith.constant 0.000000e+00 : f32
      %max3A_99 = vector.broadcast %max3A_98 : f32 to vector<8x512xf32>
      %max3A_100 = arith.maximumf %add3A_97, %max3A_99 : vector<8x512xf32>
      %swap3A_101 = arith.constant 0 : index
      %swap3A_102 = arith.constant 0 : index
      %swap3A_103 = vector.load %arg8[%swap3A_101, %swap3A_102] : memref<8x512xf32, #tpu.memory_space<vmem>>, vector<8x512xf32>
      tpu.vector_store %arg8[%swap3A_101, %swap3A_102], %max3A_100 {strides = array<i32>} : memref<8x512xf32, #tpu.memory_space<vmem>>, vector<8x512xf32>,
    } else {
    }
    %get3A = arith.constant 0 : index
    %get3A_2 = arith.constant 0 : index
    %get3A_3 = vector.load %arg8[%get3A, %get3A_2] : memref<8x512xf32, #tpu.memory_space<vmem>>, vector<8x512xf32>
    %get3A_4 = arith.constant 0 : index
    %get3A_5 = arith.constant 0 : index
    %get3A_6 = arith.constant 0 : index
    %get3A_7 = arith.constant 0 : index
    %get3A_8 = vector.load %arg5[%get3A_4, %get3A_5, %get3A_6, %get3A_7] : memref<1x8x512x64xf32, #tpu.memory_space<vmem>>, vector<1x1x512x64xf32>
    %get3A_9 = vector.shape_cast %get3A_8 : vector<1x1x512x64xf32> to vector<512x64xf32>
    %dot_general3A = arith.constant dense<0.000000e+00> : vector<8x64xf32>
    %dot_general3A_10 = tpu.matmul %get3A_3, %get3A_9, %dot_general3A {dimension_numbers = #tpu.dot_dimension_numbers<[1], [0], [0], [1], [0, 0, 1, 1], [], []>, precision = #tpu.contract_precision<fp32>, transpose_lhs_hint = false} : vector<8x512xf32>, vector<512x64xf32>, vector<8x64xf32> -> vector<8x64xf32>
    %get3A_11 = arith.constant 0 : index
    %get3A_12 = arith.constant 1 : index
    %get3A_13 = arith.constant 0 : index
    %get3A_14 = arith.constant 0 : index
    %get3A_15 = vector.load %arg5[%get3A_11, %get3A_12, %get3A_13, %get3A_14] : memref<1x8x512x64xf32, #tpu.memory_space<vmem>>, vector<1x1x512x64xf32>
    %get3A_16 = vector.shape_cast %get3A_15 : vector<1x1x512x64xf32> to vector<512x64xf32>
    %dot_general3A_17 = arith.constant dense<0.000000e+00> : vector<8x64xf32>
    %dot_general3A_18 = tpu.matmul %get3A_3, %get3A_16, %dot_general3A_17 {dimension_numbers = #tpu.dot_dimension_numbers<[1], [0], [0], [1], [0, 0, 1, 1], [], []>, precision = #tpu.contract_precision<fp32>, transpose_lhs_hint = false} : vector<8x512xf32>, vector<512x64xf32>, vector<8x64xf32> -> vector<8x64xf32>
    %get3A_19 = arith.constant 0 : index
    %get3A_20 = arith.constant 2 : index
    %get3A_21 = arith.constant 0 : index
    %get3A_22 = arith.constant 0 : index
    %get3A_23 = vector.load %arg5[%get3A_19, %get3A_20, %get3A_21, %get3A_22] : memref<1x8x512x64xf32, #tpu.memory_space<vmem>>, vector<1x1x512x64xf32>
    %get3A_24 = vector.shape_cast %get3A_23 : vector<1x1x512x64xf32> to vector<512x64xf32>
    %dot_general3A_25 = arith.constant dense<0.000000e+00> : vector<8x64xf32>
    %dot_general3A_26 = tpu.matmul %get3A_3, %get3A_24, %dot_general3A_25 {dimension_numbers = #tpu.dot_dimension_numbers<[1], [0], [0], [1], [0, 0, 1, 1], [], []>, precision = #tpu.contract_precision<fp32>, transpose_lhs_hint = false} : vector<8x512xf32>, vector<512x64xf32>, vector<8x64xf32> -> vector<8x64xf32>
    %get3A_27 = arith.constant 0 : index
    %get3A_28 = arith.constant 3 : index
    %get3A_29 = arith.constant 0 : index
    %get3A_30 = arith.constant 0 : index
    %get3A_31 = vector.load %arg5[%get3A_27, %get3A_28, %get3A_29, %get3A_30] : memref<1x8x512x64xf32, #tpu.memory_space<vmem>>, vector<1x1x512x64xf32>
    %get3A_32 = vector.shape_cast %get3A_31 : vector<1x1x512x64xf32> to vector<512x64xf32>
    %dot_general3A_33 = arith.constant dense<0.000000e+00> : vector<8x64xf32>
    %dot_general3A_34 = tpu.matmul %get3A_3, %get3A_32, %dot_general3A_33 {dimension_numbers = #tpu.dot_dimension_numbers<[1], [0], [0], [1], [0, 0, 1, 1], [], []>, precision = #tpu.contract_precision<fp32>, transpose_lhs_hint = false} : vector<8x512xf32>, vector<512x64xf32>, vector<8x64xf32> -> vector<8x64xf32>
    %get3A_35 = arith.constant 0 : index
    %get3A_36 = arith.constant 4 : index
    %get3A_37 = arith.constant 0 : index
    %get3A_38 = arith.constant 0 : index
    %get3A_39 = vector.load %arg5[%get3A_35, %get3A_36, %get3A_37, %get3A_38] : memref<1x8x512x64xf32, #tpu.memory_space<vmem>>, vector<1x1x512x64xf32>
    %get3A_40 = vector.shape_cast %get3A_39 : vector<1x1x512x64xf32> to vector<512x64xf32>
    %dot_general3A_41 = arith.constant dense<0.000000e+00> : vector<8x64xf32>
    %dot_general3A_42 = tpu.matmul %get3A_3, %get3A_40, %dot_general3A_41 {dimension_numbers = #tpu.dot_dimension_numbers<[1], [0], [0], [1], [0, 0, 1, 1], [], []>, precision = #tpu.contract_precision<fp32>, transpose_lhs_hint = false} : vector<8x512xf32>, vector<512x64xf32>, vector<8x64xf32> -> vector<8x64xf32>
    %get3A_43 = arith.constant 0 : index
    %get3A_44 = arith.constant 5 : index
    %get3A_45 = arith.constant 0 : index
    %get3A_46 = arith.constant 0 : index
    %get3A_47 = vector.load %arg5[%get3A_43, %get3A_44, %get3A_45, %get3A_46] : memref<1x8x512x64xf32, #tpu.memory_space<vmem>>, vector<1x1x512x64xf32>
    %get3A_48 = vector.shape_cast %get3A_47 : vector<1x1x512x64xf32> to vector<512x64xf32>
    %dot_general3A_49 = arith.constant dense<0.000000e+00> : vector<8x64xf32>
    %dot_general3A_50 = tpu.matmul %get3A_3, %get3A_48, %dot_general3A_49 {dimension_numbers = #tpu.dot_dimension_numbers<[1], [0], [0], [1], [0, 0, 1, 1], [], []>, precision = #tpu.contract_precision<fp32>, transpose_lhs_hint = false} : vector<8x512xf32>, vector<512x64xf32>, vector<8x64xf32> -> vector<8x64xf32>
    %get3A_51 = arith.constant 0 : index
    %get3A_52 = arith.constant 6 : index
    %get3A_53 = arith.constant 0 : index
    %get3A_54 = arith.constant 0 : index
    %get3A_55 = vector.load %arg5[%get3A_51, %get3A_52, %get3A_53, %get3A_54] : memref<1x8x512x64xf32, #tpu.memory_space<vmem>>, vector<1x1x512x64xf32>
    %get3A_56 = vector.shape_cast %get3A_55 : vector<1x1x512x64xf32> to vector<512x64xf32>
    %dot_general3A_57 = arith.constant dense<0.000000e+00> : vector<8x64xf32>
    %dot_general3A_58 = tpu.matmul %get3A_3, %get3A_56, %dot_general3A_57 {dimension_numbers = #tpu.dot_dimension_numbers<[1], [0], [0], [1], [0, 0, 1, 1], [], []>, precision = #tpu.contract_precision<fp32>, transpose_lhs_hint = false} : vector<8x512xf32>, vector<512x64xf32>, vector<8x64xf32> -> vector<8x64xf32>
    %get3A_59 = arith.constant 0 : index
    %get3A_60 = arith.constant 7 : index
    %get3A_61 = arith.constant 0 : index
    %get3A_62 = arith.constant 0 : index
    %get3A_63 = vector.load %arg5[%get3A_59, %get3A_60, %get3A_61, %get3A_62] : memref<1x8x512x64xf32, #tpu.memory_space<vmem>>, vector<1x1x512x64xf32>
    %get3A_64 = vector.shape_cast %get3A_63 : vector<1x1x512x64xf32> to vector<512x64xf32>
    %dot_general3A_65 = arith.constant dense<0.000000e+00> : vector<8x64xf32>
    %dot_general3A_66 = tpu.matmul %get3A_3, %get3A_64, %dot_general3A_65 {dimension_numbers = #tpu.dot_dimension_numbers<[1], [0], [0], [1], [0, 0, 1, 1], [], []>, precision = #tpu.contract_precision<fp32>, transpose_lhs_hint = false} : vector<8x512xf32>, vector<512x64xf32>, vector<8x64xf32> -> vector<8x64xf32>
    %concatenate3A = tpu.concatenate %dot_general3A_10, %dot_general3A_18, %dot_general3A_26, %dot_general3A_34, %dot_general3A_42, %dot_general3A_50, %dot_general3A_58, %dot_general3A_66 in 1 : vector<8x64xf32>, vector<8x64xf32>, vector<8x64xf32>, vector<8x64xf32>, vector<8x64xf32>, vector<8x64xf32>, vector<8x64xf32>, vector<8x64xf32> -> vector<8x512xf32>
    %get3A_67 = arith.constant 0 : index
    %get3A_68 = arith.constant 0 : index
    %get3A_69 = vector.load %arg6[%get3A_67, %get3A_68] : memref<1x512xf32, #tpu.memory_space<vmem>>, vector<1x512xf32>
    %add3A = vector.broadcast %get3A_69 : vector<1x512xf32> to vector<8x512xf32>
    %add3A_70 = arith.addf %concatenate3A, %add3A : vector<8x512xf32>
    %max3A = arith.constant 0.000000e+00 : f32
    %max3A_71 = vector.broadcast %max3A : f32 to vector<8x512xf32>
    %max3A_72 = arith.maximumf %add3A_70, %max3A_71 : vector<8x512xf32>
    %swap3A = arith.constant 0 : index
    %swap3A_73 = arith.constant 0 : index
    %swap3A_74 = vector.load %arg7[%swap3A, %swap3A_73] : memref<8x512xf32, #tpu.memory_space<vmem>>, vector<8x512xf32>
    tpu.vector_store %arg7[%swap3A, %swap3A_73], %max3A_72 {strides = array<i32>} : memref<8x512xf32, #tpu.memory_space<vmem>>, vector<8x512xf32>,
    return
  }
  func.func @transform_0(%arg0: i32) -> (i32, i32) {
    %c0_i32 = arith.constant 0 : i32
    %c0_i32_0 = arith.constant 0 : i32
    %c0_i32_1 = arith.constant 0 : i32
    return %c0_i32, %c0_i32_0 : i32, i32
  }
  func.func @transform_1(%arg0: i32) -> (i32, i32) {
    %c0_i32 = arith.constant 0 : i32
    %c0_i32_0 = arith.constant 0 : i32
    %c0_i32_1 = arith.constant 0 : i32
    return %c0_i32, %c0_i32_0 : i32, i32
  }
  func.func @transform_2(%arg0: i32) -> (i32, i32) {
    %c0_i32 = arith.constant 0 : i32
    %c0_i32_0 = arith.constant 0 : i32
    %c0_i32_1 = arith.constant 0 : i32
    return %c0_i32, %c0_i32_0 : i32, i32
  }
  func.func @transform_3(%arg0: i32) -> (i32, i32) {
    %c0_i32 = arith.constant 0 : i32
    %c0_i32_0 = arith.constant 0 : i32
    %c0_i32_1 = arith.constant 0 : i32
    return %c0_i32, %c0_i32_0 : i32, i32
  }
  func.func @transform_4(%arg0: i32) -> (i32, i32, i32, i32) {
    %c0_i32 = arith.constant 0 : i32
    %c0_i32_0 = arith.constant 0 : i32
    %c0_i32_1 = arith.constant 0 : i32
    %c0_i32_2 = arith.constant 0 : i32
    return %arg0, %c0_i32, %c0_i32_0, %c0_i32_1 : i32, i32, i32, i32
  }
  func.func @transform_5(%arg0: i32) -> (i32, i32) {
    %c0_i32 = arith.constant 0 : i32
    %c0_i32_0 = arith.constant 0 : i32
    return %c0_i32, %arg0 : i32, i32
  }
  func.func @transform_6(%arg0: i32) -> (i32, i32) {
    %c0_i32 = arith.constant 0 : i32
    %c0_i32_0 = arith.constant 0 : i32
    return %c0_i32, %arg0 : i32, i32
  }
}

module attributes {stable_mosaic.version = 14 : i64} {
  func.func @_dectail_body(%arg0: memref<512x64xf32, #tpu.memory_space<vmem>>, %arg1: memref<64x256xf32, #tpu.memory_space<vmem>>, %arg2: memref<1x256xf32, #tpu.memory_space<vmem>>, %arg3: memref<64x128xf32, #tpu.memory_space<vmem>>, %arg4: memref<1x128xf32, #tpu.memory_space<vmem>>, %arg5: memref<32x4xf32, #tpu.memory_space<vmem>>, %arg6: memref<1x4xf32, #tpu.memory_space<vmem>>, %arg7: memref<512x64xf32, #tpu.memory_space<vmem>>) attributes {dimension_semantics = [], scalar_prefetch = 0 : i64, scratch_operands = 0 : i64, tpu.core_type = #tpu.core_type<tc>} {
    %get3A = arith.constant 0 : index
    %get3A_0 = arith.constant 0 : index
    %get3A_1 = vector.load %arg0[%get3A, %get3A_0] : memref<512x64xf32, #tpu.memory_space<vmem>>, vector<512x64xf32>
    %get3A_2 = arith.constant 0 : index
    %get3A_3 = arith.constant 0 : index
    %get3A_4 = vector.load %arg1[%get3A_2, %get3A_3] : memref<64x256xf32, #tpu.memory_space<vmem>>, vector<64x256xf32>
    %dot_general3A = arith.constant dense<0.000000e+00> : vector<512x256xf32>
    %dot_general3A_5 = tpu.matmul %get3A_1, %get3A_4, %dot_general3A {dimension_numbers = #tpu.dot_dimension_numbers<[1], [0], [0], [1], [0, 0, 1, 1], [], []>, precision = #tpu.contract_precision<fp32>, transpose_lhs_hint = false} : vector<512x64xf32>, vector<64x256xf32>, vector<512x256xf32> -> vector<512x256xf32>
    %get3A_6 = arith.constant 0 : index
    %get3A_7 = arith.constant 0 : index
    %get3A_8 = vector.load %arg2[%get3A_6, %get3A_7] : memref<1x256xf32, #tpu.memory_space<vmem>>, vector<1x256xf32>
    %add3A = vector.broadcast %get3A_8 : vector<1x256xf32> to vector<512x256xf32>
    %add3A_9 = arith.addf %dot_general3A_5, %add3A : vector<512x256xf32>
    %max3A = arith.constant 0.000000e+00 : f32
    %max3A_10 = vector.broadcast %max3A : f32 to vector<512x256xf32>
    %max3A_11 = arith.maximumf %add3A_9, %max3A_10 : vector<512x256xf32>
    %slice3A = vector.extract_strided_slice %max3A_11 {offsets = [0, 0], sizes = [512, 64], strides = [1, 1]} : vector<512x256xf32> to vector<512x64xf32>
    %get3A_12 = arith.constant 0 : index
    %get3A_13 = arith.constant 0 : index
    %get3A_14 = vector.load %arg3[%get3A_12, %get3A_13] : memref<64x128xf32, #tpu.memory_space<vmem>>, vector<64x128xf32>
    %dot_general3A_15 = arith.constant dense<0.000000e+00> : vector<512x128xf32>
    %dot_general3A_16 = tpu.matmul %slice3A, %get3A_14, %dot_general3A_15 {dimension_numbers = #tpu.dot_dimension_numbers<[1], [0], [0], [1], [0, 0, 1, 1], [], []>, precision = #tpu.contract_precision<fp32>, transpose_lhs_hint = false} : vector<512x64xf32>, vector<64x128xf32>, vector<512x128xf32> -> vector<512x128xf32>
    %get3A_17 = arith.constant 0 : index
    %get3A_18 = arith.constant 0 : index
    %get3A_19 = vector.load %arg4[%get3A_17, %get3A_18] : memref<1x128xf32, #tpu.memory_space<vmem>>, vector<1x128xf32>
    %add3A_20 = vector.broadcast %get3A_19 : vector<1x128xf32> to vector<512x128xf32>
    %add3A_21 = arith.addf %dot_general3A_16, %add3A_20 : vector<512x128xf32>
    %max3A_22 = arith.constant 0.000000e+00 : f32
    %max3A_23 = vector.broadcast %max3A_22 : f32 to vector<512x128xf32>
    %max3A_24 = arith.maximumf %add3A_21, %max3A_23 : vector<512x128xf32>
    %slice3A_25 = vector.extract_strided_slice %max3A_11 {offsets = [0, 64], sizes = [512, 64], strides = [1, 1]} : vector<512x256xf32> to vector<512x64xf32>
    %get3A_26 = arith.constant 0 : index
    %get3A_27 = arith.constant 0 : index
    %get3A_28 = vector.load %arg3[%get3A_26, %get3A_27] : memref<64x128xf32, #tpu.memory_space<vmem>>, vector<64x128xf32>
    %dot_general3A_29 = arith.constant dense<0.000000e+00> : vector<512x128xf32>
    %dot_general3A_30 = tpu.matmul %slice3A_25, %get3A_28, %dot_general3A_29 {dimension_numbers = #tpu.dot_dimension_numbers<[1], [0], [0], [1], [0, 0, 1, 1], [], []>, precision = #tpu.contract_precision<fp32>, transpose_lhs_hint = false} : vector<512x64xf32>, vector<64x128xf32>, vector<512x128xf32> -> vector<512x128xf32>
    %get3A_31 = arith.constant 0 : index
    %get3A_32 = arith.constant 0 : index
    %get3A_33 = vector.load %arg4[%get3A_31, %get3A_32] : memref<1x128xf32, #tpu.memory_space<vmem>>, vector<1x128xf32>
    %add3A_34 = vector.broadcast %get3A_33 : vector<1x128xf32> to vector<512x128xf32>
    %add3A_35 = arith.addf %dot_general3A_30, %add3A_34 : vector<512x128xf32>
    %max3A_36 = arith.constant 0.000000e+00 : f32
    %max3A_37 = vector.broadcast %max3A_36 : f32 to vector<512x128xf32>
    %max3A_38 = arith.maximumf %add3A_35, %max3A_37 : vector<512x128xf32>
    %slice3A_39 = vector.extract_strided_slice %max3A_11 {offsets = [0, 128], sizes = [512, 64], strides = [1, 1]} : vector<512x256xf32> to vector<512x64xf32>
    %get3A_40 = arith.constant 0 : index
    %get3A_41 = arith.constant 0 : index
    %get3A_42 = vector.load %arg3[%get3A_40, %get3A_41] : memref<64x128xf32, #tpu.memory_space<vmem>>, vector<64x128xf32>
    %dot_general3A_43 = arith.constant dense<0.000000e+00> : vector<512x128xf32>
    %dot_general3A_44 = tpu.matmul %slice3A_39, %get3A_42, %dot_general3A_43 {dimension_numbers = #tpu.dot_dimension_numbers<[1], [0], [0], [1], [0, 0, 1, 1], [], []>, precision = #tpu.contract_precision<fp32>, transpose_lhs_hint = false} : vector<512x64xf32>, vector<64x128xf32>, vector<512x128xf32> -> vector<512x128xf32>
    %get3A_45 = arith.constant 0 : index
    %get3A_46 = arith.constant 0 : index
    %get3A_47 = vector.load %arg4[%get3A_45, %get3A_46] : memref<1x128xf32, #tpu.memory_space<vmem>>, vector<1x128xf32>
    %add3A_48 = vector.broadcast %get3A_47 : vector<1x128xf32> to vector<512x128xf32>
    %add3A_49 = arith.addf %dot_general3A_44, %add3A_48 : vector<512x128xf32>
    %max3A_50 = arith.constant 0.000000e+00 : f32
    %max3A_51 = vector.broadcast %max3A_50 : f32 to vector<512x128xf32>
    %max3A_52 = arith.maximumf %add3A_49, %max3A_51 : vector<512x128xf32>
    %slice3A_53 = vector.extract_strided_slice %max3A_11 {offsets = [0, 192], sizes = [512, 64], strides = [1, 1]} : vector<512x256xf32> to vector<512x64xf32>
    %get3A_54 = arith.constant 0 : index
    %get3A_55 = arith.constant 0 : index
    %get3A_56 = vector.load %arg3[%get3A_54, %get3A_55] : memref<64x128xf32, #tpu.memory_space<vmem>>, vector<64x128xf32>
    %dot_general3A_57 = arith.constant dense<0.000000e+00> : vector<512x128xf32>
    %dot_general3A_58 = tpu.matmul %slice3A_53, %get3A_56, %dot_general3A_57 {dimension_numbers = #tpu.dot_dimension_numbers<[1], [0], [0], [1], [0, 0, 1, 1], [], []>, precision = #tpu.contract_precision<fp32>, transpose_lhs_hint = false} : vector<512x64xf32>, vector<64x128xf32>, vector<512x128xf32> -> vector<512x128xf32>
    %get3A_59 = arith.constant 0 : index
    %get3A_60 = arith.constant 0 : index
    %get3A_61 = vector.load %arg4[%get3A_59, %get3A_60] : memref<1x128xf32, #tpu.memory_space<vmem>>, vector<1x128xf32>
    %add3A_62 = vector.broadcast %get3A_61 : vector<1x128xf32> to vector<512x128xf32>
    %add3A_63 = arith.addf %dot_general3A_58, %add3A_62 : vector<512x128xf32>
    %max3A_64 = arith.constant 0.000000e+00 : f32
    %max3A_65 = vector.broadcast %max3A_64 : f32 to vector<512x128xf32>
    %max3A_66 = arith.maximumf %add3A_63, %max3A_65 : vector<512x128xf32>
    %concatenate3A = tpu.concatenate %max3A_24, %max3A_38, %max3A_52, %max3A_66 in 1 : vector<512x128xf32>, vector<512x128xf32>, vector<512x128xf32>, vector<512x128xf32> -> vector<512x512xf32>
    %slice3A_67 = vector.extract_strided_slice %concatenate3A {offsets = [0, 0], sizes = [512, 32], strides = [1, 1]} : vector<512x512xf32> to vector<512x32xf32>
    %get3A_68 = arith.constant 0 : index
    %get3A_69 = arith.constant 0 : index
    %get3A_70 = vector.load %arg5[%get3A_68, %get3A_69] : memref<32x4xf32, #tpu.memory_space<vmem>>, vector<32x4xf32>
    %dot_general3A_71 = arith.constant dense<0.000000e+00> : vector<512x4xf32>
    %dot_general3A_72 = tpu.matmul %slice3A_67, %get3A_70, %dot_general3A_71 {dimension_numbers = #tpu.dot_dimension_numbers<[1], [0], [0], [1], [0, 0, 1, 1], [], []>, precision = #tpu.contract_precision<fp32>, transpose_lhs_hint = false} : vector<512x32xf32>, vector<32x4xf32>, vector<512x4xf32> -> vector<512x4xf32>
    %get3A_73 = arith.constant 0 : index
    %get3A_74 = arith.constant 0 : index
    %get3A_75 = vector.load %arg6[%get3A_73, %get3A_74] : memref<1x4xf32, #tpu.memory_space<vmem>>, vector<1x4xf32>
    %add3A_76 = vector.broadcast %get3A_75 : vector<1x4xf32> to vector<512x4xf32>
    %add3A_77 = arith.addf %dot_general3A_72, %add3A_76 : vector<512x4xf32>
    %slice3A_78 = vector.extract_strided_slice %concatenate3A {offsets = [0, 32], sizes = [512, 32], strides = [1, 1]} : vector<512x512xf32> to vector<512x32xf32>
    %get3A_79 = arith.constant 0 : index
    %get3A_80 = arith.constant 0 : index
    %get3A_81 = vector.load %arg5[%get3A_79, %get3A_80] : memref<32x4xf32, #tpu.memory_space<vmem>>, vector<32x4xf32>
    %dot_general3A_82 = arith.constant dense<0.000000e+00> : vector<512x4xf32>
    %dot_general3A_83 = tpu.matmul %slice3A_78, %get3A_81, %dot_general3A_82 {dimension_numbers = #tpu.dot_dimension_numbers<[1], [0], [0], [1], [0, 0, 1, 1], [], []>, precision = #tpu.contract_precision<fp32>, transpose_lhs_hint = false} : vector<512x32xf32>, vector<32x4xf32>, vector<512x4xf32> -> vector<512x4xf32>
    %get3A_84 = arith.constant 0 : index
    %get3A_85 = arith.constant 0 : index
    %get3A_86 = vector.load %arg6[%get3A_84, %get3A_85] : memref<1x4xf32, #tpu.memory_space<vmem>>, vector<1x4xf32>
    %add3A_87 = vector.broadcast %get3A_86 : vector<1x4xf32> to vector<512x4xf32>
    %add3A_88 = arith.addf %dot_general3A_83, %add3A_87 : vector<512x4xf32>
    %slice3A_89 = vector.extract_strided_slice %concatenate3A {offsets = [0, 64], sizes = [512, 32], strides = [1, 1]} : vector<512x512xf32> to vector<512x32xf32>
    %get3A_90 = arith.constant 0 : index
    %get3A_91 = arith.constant 0 : index
    %get3A_92 = vector.load %arg5[%get3A_90, %get3A_91] : memref<32x4xf32, #tpu.memory_space<vmem>>, vector<32x4xf32>
    %dot_general3A_93 = arith.constant dense<0.000000e+00> : vector<512x4xf32>
    %dot_general3A_94 = tpu.matmul %slice3A_89, %get3A_92, %dot_general3A_93 {dimension_numbers = #tpu.dot_dimension_numbers<[1], [0], [0], [1], [0, 0, 1, 1], [], []>, precision = #tpu.contract_precision<fp32>, transpose_lhs_hint = false} : vector<512x32xf32>, vector<32x4xf32>, vector<512x4xf32> -> vector<512x4xf32>
    %get3A_95 = arith.constant 0 : index
    %get3A_96 = arith.constant 0 : index
    %get3A_97 = vector.load %arg6[%get3A_95, %get3A_96] : memref<1x4xf32, #tpu.memory_space<vmem>>, vector<1x4xf32>
    %add3A_98 = vector.broadcast %get3A_97 : vector<1x4xf32> to vector<512x4xf32>
    %add3A_99 = arith.addf %dot_general3A_94, %add3A_98 : vector<512x4xf32>
    %slice3A_100 = vector.extract_strided_slice %concatenate3A {offsets = [0, 96], sizes = [512, 32], strides = [1, 1]} : vector<512x512xf32> to vector<512x32xf32>
    %get3A_101 = arith.constant 0 : index
    %get3A_102 = arith.constant 0 : index
    %get3A_103 = vector.load %arg5[%get3A_101, %get3A_102] : memref<32x4xf32, #tpu.memory_space<vmem>>, vector<32x4xf32>
    %dot_general3A_104 = arith.constant dense<0.000000e+00> : vector<512x4xf32>
    %dot_general3A_105 = tpu.matmul %slice3A_100, %get3A_103, %dot_general3A_104 {dimension_numbers = #tpu.dot_dimension_numbers<[1], [0], [0], [1], [0, 0, 1, 1], [], []>, precision = #tpu.contract_precision<fp32>, transpose_lhs_hint = false} : vector<512x32xf32>, vector<32x4xf32>, vector<512x4xf32> -> vector<512x4xf32>
    %get3A_106 = arith.constant 0 : index
    %get3A_107 = arith.constant 0 : index
    %get3A_108 = vector.load %arg6[%get3A_106, %get3A_107] : memref<1x4xf32, #tpu.memory_space<vmem>>, vector<1x4xf32>
    %add3A_109 = vector.broadcast %get3A_108 : vector<1x4xf32> to vector<512x4xf32>
    %add3A_110 = arith.addf %dot_general3A_105, %add3A_109 : vector<512x4xf32>
    %slice3A_111 = vector.extract_strided_slice %concatenate3A {offsets = [0, 128], sizes = [512, 32], strides = [1, 1]} : vector<512x512xf32> to vector<512x32xf32>
    %get3A_112 = arith.constant 0 : index
    %get3A_113 = arith.constant 0 : index
    %get3A_114 = vector.load %arg5[%get3A_112, %get3A_113] : memref<32x4xf32, #tpu.memory_space<vmem>>, vector<32x4xf32>
    %dot_general3A_115 = arith.constant dense<0.000000e+00> : vector<512x4xf32>
    %dot_general3A_116 = tpu.matmul %slice3A_111, %get3A_114, %dot_general3A_115 {dimension_numbers = #tpu.dot_dimension_numbers<[1], [0], [0], [1], [0, 0, 1, 1], [], []>, precision = #tpu.contract_precision<fp32>, transpose_lhs_hint = false} : vector<512x32xf32>, vector<32x4xf32>, vector<512x4xf32> -> vector<512x4xf32>
    %get3A_117 = arith.constant 0 : index
    %get3A_118 = arith.constant 0 : index
    %get3A_119 = vector.load %arg6[%get3A_117, %get3A_118] : memref<1x4xf32, #tpu.memory_space<vmem>>, vector<1x4xf32>
    %add3A_120 = vector.broadcast %get3A_119 : vector<1x4xf32> to vector<512x4xf32>
    %add3A_121 = arith.addf %dot_general3A_116, %add3A_120 : vector<512x4xf32>
    %slice3A_122 = vector.extract_strided_slice %concatenate3A {offsets = [0, 160], sizes = [512, 32], strides = [1, 1]} : vector<512x512xf32> to vector<512x32xf32>
    %get3A_123 = arith.constant 0 : index
    %get3A_124 = arith.constant 0 : index
    %get3A_125 = vector.load %arg5[%get3A_123, %get3A_124] : memref<32x4xf32, #tpu.memory_space<vmem>>, vector<32x4xf32>
    %dot_general3A_126 = arith.constant dense<0.000000e+00> : vector<512x4xf32>
    %dot_general3A_127 = tpu.matmul %slice3A_122, %get3A_125, %dot_general3A_126 {dimension_numbers = #tpu.dot_dimension_numbers<[1], [0], [0], [1], [0, 0, 1, 1], [], []>, precision = #tpu.contract_precision<fp32>, transpose_lhs_hint = false} : vector<512x32xf32>, vector<32x4xf32>, vector<512x4xf32> -> vector<512x4xf32>
    %get3A_128 = arith.constant 0 : index
    %get3A_129 = arith.constant 0 : index
    %get3A_130 = vector.load %arg6[%get3A_128, %get3A_129] : memref<1x4xf32, #tpu.memory_space<vmem>>, vector<1x4xf32>
    %add3A_131 = vector.broadcast %get3A_130 : vector<1x4xf32> to vector<512x4xf32>
    %add3A_132 = arith.addf %dot_general3A_127, %add3A_131 : vector<512x4xf32>
    %slice3A_133 = vector.extract_strided_slice %concatenate3A {offsets = [0, 192], sizes = [512, 32], strides = [1, 1]} : vector<512x512xf32> to vector<512x32xf32>
    %get3A_134 = arith.constant 0 : index
    %get3A_135 = arith.constant 0 : index
    %get3A_136 = vector.load %arg5[%get3A_134, %get3A_135] : memref<32x4xf32, #tpu.memory_space<vmem>>, vector<32x4xf32>
    %dot_general3A_137 = arith.constant dense<0.000000e+00> : vector<512x4xf32>
    %dot_general3A_138 = tpu.matmul %slice3A_133, %get3A_136, %dot_general3A_137 {dimension_numbers = #tpu.dot_dimension_numbers<[1], [0], [0], [1], [0, 0, 1, 1], [], []>, precision = #tpu.contract_precision<fp32>, transpose_lhs_hint = false} : vector<512x32xf32>, vector<32x4xf32>, vector<512x4xf32> -> vector<512x4xf32>
    %get3A_139 = arith.constant 0 : index
    %get3A_140 = arith.constant 0 : index
    %get3A_141 = vector.load %arg6[%get3A_139, %get3A_140] : memref<1x4xf32, #tpu.memory_space<vmem>>, vector<1x4xf32>
    %add3A_142 = vector.broadcast %get3A_141 : vector<1x4xf32> to vector<512x4xf32>
    %add3A_143 = arith.addf %dot_general3A_138, %add3A_142 : vector<512x4xf32>
    %slice3A_144 = vector.extract_strided_slice %concatenate3A {offsets = [0, 224], sizes = [512, 32], strides = [1, 1]} : vector<512x512xf32> to vector<512x32xf32>
    %get3A_145 = arith.constant 0 : index
    %get3A_146 = arith.constant 0 : index
    %get3A_147 = vector.load %arg5[%get3A_145, %get3A_146] : memref<32x4xf32, #tpu.memory_space<vmem>>, vector<32x4xf32>
    %dot_general3A_148 = arith.constant dense<0.000000e+00> : vector<512x4xf32>
    %dot_general3A_149 = tpu.matmul %slice3A_144, %get3A_147, %dot_general3A_148 {dimension_numbers = #tpu.dot_dimension_numbers<[1], [0], [0], [1], [0, 0, 1, 1], [], []>, precision = #tpu.contract_precision<fp32>, transpose_lhs_hint = false} : vector<512x32xf32>, vector<32x4xf32>, vector<512x4xf32> -> vector<512x4xf32>
    %get3A_150 = arith.constant 0 : index
    %get3A_151 = arith.constant 0 : index
    %get3A_152 = vector.load %arg6[%get3A_150, %get3A_151] : memref<1x4xf32, #tpu.memory_space<vmem>>, vector<1x4xf32>
    %add3A_153 = vector.broadcast %get3A_152 : vector<1x4xf32> to vector<512x4xf32>
    %add3A_154 = arith.addf %dot_general3A_149, %add3A_153 : vector<512x4xf32>
    %slice3A_155 = vector.extract_strided_slice %concatenate3A {offsets = [0, 256], sizes = [512, 32], strides = [1, 1]} : vector<512x512xf32> to vector<512x32xf32>
    %get3A_156 = arith.constant 0 : index
    %get3A_157 = arith.constant 0 : index
    %get3A_158 = vector.load %arg5[%get3A_156, %get3A_157] : memref<32x4xf32, #tpu.memory_space<vmem>>, vector<32x4xf32>
    %dot_general3A_159 = arith.constant dense<0.000000e+00> : vector<512x4xf32>
    %dot_general3A_160 = tpu.matmul %slice3A_155, %get3A_158, %dot_general3A_159 {dimension_numbers = #tpu.dot_dimension_numbers<[1], [0], [0], [1], [0, 0, 1, 1], [], []>, precision = #tpu.contract_precision<fp32>, transpose_lhs_hint = false} : vector<512x32xf32>, vector<32x4xf32>, vector<512x4xf32> -> vector<512x4xf32>
    %get3A_161 = arith.constant 0 : index
    %get3A_162 = arith.constant 0 : index
    %get3A_163 = vector.load %arg6[%get3A_161, %get3A_162] : memref<1x4xf32, #tpu.memory_space<vmem>>, vector<1x4xf32>
    %add3A_164 = vector.broadcast %get3A_163 : vector<1x4xf32> to vector<512x4xf32>
    %add3A_165 = arith.addf %dot_general3A_160, %add3A_164 : vector<512x4xf32>
    %slice3A_166 = vector.extract_strided_slice %concatenate3A {offsets = [0, 288], sizes = [512, 32], strides = [1, 1]} : vector<512x512xf32> to vector<512x32xf32>
    %get3A_167 = arith.constant 0 : index
    %get3A_168 = arith.constant 0 : index
    %get3A_169 = vector.load %arg5[%get3A_167, %get3A_168] : memref<32x4xf32, #tpu.memory_space<vmem>>, vector<32x4xf32>
    %dot_general3A_170 = arith.constant dense<0.000000e+00> : vector<512x4xf32>
    %dot_general3A_171 = tpu.matmul %slice3A_166, %get3A_169, %dot_general3A_170 {dimension_numbers = #tpu.dot_dimension_numbers<[1], [0], [0], [1], [0, 0, 1, 1], [], []>, precision = #tpu.contract_precision<fp32>, transpose_lhs_hint = false} : vector<512x32xf32>, vector<32x4xf32>, vector<512x4xf32> -> vector<512x4xf32>
    %get3A_172 = arith.constant 0 : index
    %get3A_173 = arith.constant 0 : index
    %get3A_174 = vector.load %arg6[%get3A_172, %get3A_173] : memref<1x4xf32, #tpu.memory_space<vmem>>, vector<1x4xf32>
    %add3A_175 = vector.broadcast %get3A_174 : vector<1x4xf32> to vector<512x4xf32>
    %add3A_176 = arith.addf %dot_general3A_171, %add3A_175 : vector<512x4xf32>
    %slice3A_177 = vector.extract_strided_slice %concatenate3A {offsets = [0, 320], sizes = [512, 32], strides = [1, 1]} : vector<512x512xf32> to vector<512x32xf32>
    %get3A_178 = arith.constant 0 : index
    %get3A_179 = arith.constant 0 : index
    %get3A_180 = vector.load %arg5[%get3A_178, %get3A_179] : memref<32x4xf32, #tpu.memory_space<vmem>>, vector<32x4xf32>
    %dot_general3A_181 = arith.constant dense<0.000000e+00> : vector<512x4xf32>
    %dot_general3A_182 = tpu.matmul %slice3A_177, %get3A_180, %dot_general3A_181 {dimension_numbers = #tpu.dot_dimension_numbers<[1], [0], [0], [1], [0, 0, 1, 1], [], []>, precision = #tpu.contract_precision<fp32>, transpose_lhs_hint = false} : vector<512x32xf32>, vector<32x4xf32>, vector<512x4xf32> -> vector<512x4xf32>
    %get3A_183 = arith.constant 0 : index
    %get3A_184 = arith.constant 0 : index
    %get3A_185 = vector.load %arg6[%get3A_183, %get3A_184] : memref<1x4xf32, #tpu.memory_space<vmem>>, vector<1x4xf32>
    %add3A_186 = vector.broadcast %get3A_185 : vector<1x4xf32> to vector<512x4xf32>
    %add3A_187 = arith.addf %dot_general3A_182, %add3A_186 : vector<512x4xf32>
    %slice3A_188 = vector.extract_strided_slice %concatenate3A {offsets = [0, 352], sizes = [512, 32], strides = [1, 1]} : vector<512x512xf32> to vector<512x32xf32>
    %get3A_189 = arith.constant 0 : index
    %get3A_190 = arith.constant 0 : index
    %get3A_191 = vector.load %arg5[%get3A_189, %get3A_190] : memref<32x4xf32, #tpu.memory_space<vmem>>, vector<32x4xf32>
    %dot_general3A_192 = arith.constant dense<0.000000e+00> : vector<512x4xf32>
    %dot_general3A_193 = tpu.matmul %slice3A_188, %get3A_191, %dot_general3A_192 {dimension_numbers = #tpu.dot_dimension_numbers<[1], [0], [0], [1], [0, 0, 1, 1], [], []>, precision = #tpu.contract_precision<fp32>, transpose_lhs_hint = false} : vector<512x32xf32>, vector<32x4xf32>, vector<512x4xf32> -> vector<512x4xf32>
    %get3A_194 = arith.constant 0 : index
    %get3A_195 = arith.constant 0 : index
    %get3A_196 = vector.load %arg6[%get3A_194, %get3A_195] : memref<1x4xf32, #tpu.memory_space<vmem>>, vector<1x4xf32>
    %add3A_197 = vector.broadcast %get3A_196 : vector<1x4xf32> to vector<512x4xf32>
    %add3A_198 = arith.addf %dot_general3A_193, %add3A_197 : vector<512x4xf32>
    %slice3A_199 = vector.extract_strided_slice %concatenate3A {offsets = [0, 384], sizes = [512, 32], strides = [1, 1]} : vector<512x512xf32> to vector<512x32xf32>
    %get3A_200 = arith.constant 0 : index
    %get3A_201 = arith.constant 0 : index
    %get3A_202 = vector.load %arg5[%get3A_200, %get3A_201] : memref<32x4xf32, #tpu.memory_space<vmem>>, vector<32x4xf32>
    %dot_general3A_203 = arith.constant dense<0.000000e+00> : vector<512x4xf32>
    %dot_general3A_204 = tpu.matmul %slice3A_199, %get3A_202, %dot_general3A_203 {dimension_numbers = #tpu.dot_dimension_numbers<[1], [0], [0], [1], [0, 0, 1, 1], [], []>, precision = #tpu.contract_precision<fp32>, transpose_lhs_hint = false} : vector<512x32xf32>, vector<32x4xf32>, vector<512x4xf32> -> vector<512x4xf32>
    %get3A_205 = arith.constant 0 : index
    %get3A_206 = arith.constant 0 : index
    %get3A_207 = vector.load %arg6[%get3A_205, %get3A_206] : memref<1x4xf32, #tpu.memory_space<vmem>>, vector<1x4xf32>
    %add3A_208 = vector.broadcast %get3A_207 : vector<1x4xf32> to vector<512x4xf32>
    %add3A_209 = arith.addf %dot_general3A_204, %add3A_208 : vector<512x4xf32>
    %slice3A_210 = vector.extract_strided_slice %concatenate3A {offsets = [0, 416], sizes = [512, 32], strides = [1, 1]} : vector<512x512xf32> to vector<512x32xf32>
    %get3A_211 = arith.constant 0 : index
    %get3A_212 = arith.constant 0 : index
    %get3A_213 = vector.load %arg5[%get3A_211, %get3A_212] : memref<32x4xf32, #tpu.memory_space<vmem>>, vector<32x4xf32>
    %dot_general3A_214 = arith.constant dense<0.000000e+00> : vector<512x4xf32>
    %dot_general3A_215 = tpu.matmul %slice3A_210, %get3A_213, %dot_general3A_214 {dimension_numbers = #tpu.dot_dimension_numbers<[1], [0], [0], [1], [0, 0, 1, 1], [], []>, precision = #tpu.contract_precision<fp32>, transpose_lhs_hint = false} : vector<512x32xf32>, vector<32x4xf32>, vector<512x4xf32> -> vector<512x4xf32>
    %get3A_216 = arith.constant 0 : index
    %get3A_217 = arith.constant 0 : index
    %get3A_218 = vector.load %arg6[%get3A_216, %get3A_217] : memref<1x4xf32, #tpu.memory_space<vmem>>, vector<1x4xf32>
    %add3A_219 = vector.broadcast %get3A_218 : vector<1x4xf32> to vector<512x4xf32>
    %add3A_220 = arith.addf %dot_general3A_215, %add3A_219 : vector<512x4xf32>
    %slice3A_221 = vector.extract_strided_slice %concatenate3A {offsets = [0, 448], sizes = [512, 32], strides = [1, 1]} : vector<512x512xf32> to vector<512x32xf32>
    %get3A_222 = arith.constant 0 : index
    %get3A_223 = arith.constant 0 : index
    %get3A_224 = vector.load %arg5[%get3A_222, %get3A_223] : memref<32x4xf32, #tpu.memory_space<vmem>>, vector<32x4xf32>
    %dot_general3A_225 = arith.constant dense<0.000000e+00> : vector<512x4xf32>
    %dot_general3A_226 = tpu.matmul %slice3A_221, %get3A_224, %dot_general3A_225 {dimension_numbers = #tpu.dot_dimension_numbers<[1], [0], [0], [1], [0, 0, 1, 1], [], []>, precision = #tpu.contract_precision<fp32>, transpose_lhs_hint = false} : vector<512x32xf32>, vector<32x4xf32>, vector<512x4xf32> -> vector<512x4xf32>
    %get3A_227 = arith.constant 0 : index
    %get3A_228 = arith.constant 0 : index
    %get3A_229 = vector.load %arg6[%get3A_227, %get3A_228] : memref<1x4xf32, #tpu.memory_space<vmem>>, vector<1x4xf32>
    %add3A_230 = vector.broadcast %get3A_229 : vector<1x4xf32> to vector<512x4xf32>
    %add3A_231 = arith.addf %dot_general3A_226, %add3A_230 : vector<512x4xf32>
    %slice3A_232 = vector.extract_strided_slice %concatenate3A {offsets = [0, 480], sizes = [512, 32], strides = [1, 1]} : vector<512x512xf32> to vector<512x32xf32>
    %get3A_233 = arith.constant 0 : index
    %get3A_234 = arith.constant 0 : index
    %get3A_235 = vector.load %arg5[%get3A_233, %get3A_234] : memref<32x4xf32, #tpu.memory_space<vmem>>, vector<32x4xf32>
    %dot_general3A_236 = arith.constant dense<0.000000e+00> : vector<512x4xf32>
    %dot_general3A_237 = tpu.matmul %slice3A_232, %get3A_235, %dot_general3A_236 {dimension_numbers = #tpu.dot_dimension_numbers<[1], [0], [0], [1], [0, 0, 1, 1], [], []>, precision = #tpu.contract_precision<fp32>, transpose_lhs_hint = false} : vector<512x32xf32>, vector<32x4xf32>, vector<512x4xf32> -> vector<512x4xf32>
    %get3A_238 = arith.constant 0 : index
    %get3A_239 = arith.constant 0 : index
    %get3A_240 = vector.load %arg6[%get3A_238, %get3A_239] : memref<1x4xf32, #tpu.memory_space<vmem>>, vector<1x4xf32>
    %add3A_241 = vector.broadcast %get3A_240 : vector<1x4xf32> to vector<512x4xf32>
    %add3A_242 = arith.addf %dot_general3A_237, %add3A_241 : vector<512x4xf32>
    %concatenate3A_243 = tpu.concatenate %add3A_77, %add3A_88, %add3A_99, %add3A_110, %add3A_121, %add3A_132, %add3A_143, %add3A_154, %add3A_165, %add3A_176, %add3A_187, %add3A_198, %add3A_209, %add3A_220, %add3A_231, %add3A_242 in 1 : vector<512x4xf32>, vector<512x4xf32>, vector<512x4xf32>, vector<512x4xf32>, vector<512x4xf32>, vector<512x4xf32>, vector<512x4xf32>, vector<512x4xf32>, vector<512x4xf32>, vector<512x4xf32>, vector<512x4xf32>, vector<512x4xf32>, vector<512x4xf32>, vector<512x4xf32>, vector<512x4xf32>, vector<512x4xf32> -> vector<512x64xf32>
    %logistic3A = arith.negf %concatenate3A_243 : vector<512x64xf32>
    %logistic3A_244 = math.exp %logistic3A : vector<512x64xf32>
    %logistic3A_245 = arith.constant 1.000000e+00 : f32
    %logistic3A_246 = vector.broadcast %logistic3A_245 : f32 to vector<512x64xf32>
    %logistic3A_247 = arith.addf %logistic3A_246, %logistic3A_244 : vector<512x64xf32>
    %logistic3A_248 = arith.divf %logistic3A_246, %logistic3A_247 : vector<512x64xf32>
    %swap3A = arith.constant 0 : index
    %swap3A_249 = arith.constant 0 : index
    %swap3A_250 = vector.load %arg7[%swap3A, %swap3A_249] : memref<512x64xf32, #tpu.memory_space<vmem>>, vector<512x64xf32>
    tpu.vector_store %arg7[%swap3A, %swap3A_249], %logistic3A_248 {strides = array<i32>} : memref<512x64xf32, #tpu.memory_space<vmem>>, vector<512x64xf32>,
    return
  }
}

</mosaic_0001>

<sc_bundles>
// kernel: kernel.9.cloned.1.call-start
scs
__scs_entry_jumppad:
0x0: {  	(pc) =	sbr.rel $0x88, $3  }
0x1: {  	(tag) =	ssettag $0x0;
	lr =	simm.s32 $0x1  }
0x2: {  	[smem:$0x3F8D] =	sst lr;
	_ =	strace $0xD0000000  }
0x3: {  	_ = 	snop  }
0x4: {  	_ = 	snop  }
0x5: {  	_ = 	snop  }
0x6: {  	_ = 	snop  }
0x7: {  	_ = 	snop  }
__scs_overlays_trampoline_lowered:
0x8: {  	[smem:$0x3F9C] =	sst s0  }
0x9: {  	[smem:$0x3F9D] =	sst s1  }
0xa: {  	[smem:$0x3F9E] =	sst s2  }
0xb: {  	[smem:$0x3F9F] =	sst s3  }
0xc: {  	[smem:$0x3FA0] =	sst s4  }
0xd: {  	[smem:$0x3FA1] =	sst s5  }
0xe: {  	[smem:$0x3FA2] =	sst s6  }
0xf: {  	[smem:$0x3FA3] =	sst s7  }
0x10: {  	[smem:$0x3FA4] =	sst s8  }
0x11: {  	[smem:$0x3FA5] =	sst s9;
	s0 =	simm.s32 @!p0 $0x0  }
0x12: {  	s1 =	sld [smem:$0x3F8B];
	s0 =	simm.s32 @p0 $0x1  }
0x13: {  	[smem:$0x3FA6] =	sst s0;
	s0 =	simm.s32 @!p1 $0x0  }
0x14: {  	s2 =	sld [smem:$0x3F8A];
	s0 =	simm.s32 @p1 $0x1  }
0x15: {  	[smem:$0x3FA7] =	sst s0;
	s0 =	simm.s32 @!p2 $0x0  }
0x16: {  	s3 =	sld [smem:$0x3FDB];
	s0 =	simm.s32 @p2 $0x1  }
0x17: {  	s4 =	simm.s32 $0x1BF5;
	[smem:$0x3FA9] =	sst s0  }
0x18: {  	s0 =	sld [smem:$0x3F8C];
	_ =	swait.ge [sflag:s4], $0x0  }
0x19: {  	s7 =	sld [smem:$0x3F8D]  }
0x1a: {  	s8 =	sadd.s32 $0xFFFFE003, lr  }
0x1b: {  	s9 =	sadd.s32 $0xFFFFFEF7, lr;
	s5 =	simm.s32 $0xFFFFFFFF;
	p2 =	slt.u32 s8, $0xFFFFF086  }
0x1c: {  	p1 =	slt.u32 s9, $0xF7A;
	s5 =	simm.s32 @!p2 $0x0  }
0x1d: {  	s5 =	simm.s32 @p1 $0x1;
	p0 =	seq.s32 s7, s2  }
0x1e: {  	s7 =	smul.u32 @!p0 $0xF7A, s2;
	p2 =	seq.s32 @!p0 s5, $0x0  }
0x1f: {  	s9 =	smul.u32 $0xF7A, s1;
	s8 =	simm.s32 @!p0 $0x1BF5;
	p2 =	por !p2, p0  }
0x20: {  	[sflag:s8] =	ssyncset.s32 @!p0 $0xFFFFF086;
	s6 =	sadd.s32 @!p0 s3, s7;
	s7 =	simm.s32 @!p0 $0x108  }
0x21: {  	s3 =	sadd.s32 s3, s9;
	s6 =	sadd.s32 @!p0 $0x88, s6;
	s7 =	simm.s32 @p2 $0x1082  }
0x22: {  	[simem:s7], [sflag:s8] =	dma.local @!p0 [hbm:s6], $0xF7A  }
0x23: {  	s9 =	sor.u32 $0xD0000000, s2;
	s6 =	simm.s32 $0x108;
	_ =	swait.ge @!p0 [sflag:s8], $0x0  }
0x24: {  	s3 =	sadd.s32 $0x88, s3;
	s6 =	simm.s32 @!p1 $0x1082;
	[sflag:s4] =	ssyncset.s32 $0xFFFFF086  }
0x25: {  	[simem:s6], [sflag:s4] =	dma.local [hbm:s3], $0xF7A  }
0x26: {  	[smem:$0x3F8D] =	sst s1;
	(tag) =	ssettag s2;
	_ =	strace s9  }
0x27: {  	s1 =	sld [smem:$0x3F9D]  }
0x28: {  	s2 =	sld [smem:$0x3F9E]  }
0x29: {  	s4 =	sld [smem:$0x3FA0]  }
0x2a: {  	p0 =	seq.s32 s5, $0x0;
	s5 =	sld [smem:$0x3FA1]  }
0x2b: {  	s6 =	sld [smem:$0x3FA2]  }
0x2c: {  	s7 =	sld [smem:$0x3FA3]  }
0x2d: {  	s3 =	simm.s32 $0x108;
	s8 =	sld [smem:$0x3FA4]  }
0x2e: {  	s3 =	simm.s32 @!p0 $0x1082;
	s9 =	sld [smem:$0x3FA5]  }
0x2f: {  	lr =	sadd.s32 s0, s3;
	s0 =	sld [smem:$0x3F9C]  }
0x30: {  	s3 =	sld [smem:$0x3F9F]  }
0x31: {  	[smem:$0x3FA8] =	sst s10  }
0x32: {  	s10 =	sld [smem:$0x3FA6];
	_ =	sdelay $0x3  }
0x33: {  	p0 =	seq.s32 s10, $0x1;
	s10 =	sld [smem:$0x3FA8];
	_ =	sdelay $0x3  }
0x34: {  	[smem:$0x3FA8] =	sst s10  }
0x35: {  	s10 =	sld [smem:$0x3FA7];
	_ =	sdelay $0x3  }
0x36: {  	p1 =	seq.s32 s10, $0x1;
	s10 =	sld [smem:$0x3FA8];
	_ =	sdelay $0x3  }
0x37: {  	[smem:$0x3FA8] =	sst s10  }
0x38: {  	s10 =	sld [smem:$0x3FA9]  }
0x39: {  	_ = 	snop;
	(pc) =	sbr.ind lr, $3  }
0x3a: {  	_ = 	snop  }
0x3b: {  	_ = 	snop  }
0x3c: {  	p2 =	seq.s32 s10, $0x1;
	s10 =	sld [smem:$0x3FA8]  }
0x3d: {  	_ =	shalt  }
0x3e: {  	_ =	shalt  }
0x3f: {  	_ =	shalt  }
0x40: {  	_ =	shalt  }
0x41: {  	_ =	shalt  }
0x42: {  	_ =	shalt  }
0x43: {  	_ =	shalt  }
0x44: {  	_ =	shalt  }
0x45: {  	_ =	shalt  }
0x46: {  	_ =	shalt  }
0x47: {  	_ =	shalt  }
0x48: {  	_ =	shalt  }
0x49: {  	_ =	shalt  }
0x4a: {  	_ =	shalt  }
0x4b: {  	_ =	shalt  }
0x4c: {  	_ =	shalt  }
0x4d: {  	_ =	shalt  }
0x4e: {  	_ =	shalt  }
0x4f: {  	_ =	shalt  }
0x50: {  	_ =	shalt  }
0x51: {  	_ =	shalt  }
0x52: {  	_ =	shalt  }
0x53: {  	_ =	shalt  }
0x54: {  	_ =	shalt  }
0x55: {  	_ =	shalt  }
0x56: {  	_ =	shalt  }
0x57: {  	_ =	shalt  }
0x58: {  	_ =	shalt  }
0x59: {  	_ =	shalt  }
0x5a: {  	_ =	shalt  }
0x5b: {  	_ =	shalt  }
0x5c: {  	_ =	shalt  }
0x5d: {  	_ =	shalt  }
0x5e: {  	_ =	shalt  }
0x5f: {  	_ =	shalt  }
0x60: {  	_ =	shalt  }
0x61: {  	_ =	shalt  }
0x62: {  	_ =	shalt  }
0x63: {  	_ =	shalt  }
0x64: {  	_ =	shalt  }
0x65: {  	_ =	shalt  }
0x66: {  	_ =	shalt  }
0x67: {  	_ =	shalt  }
0x68: {  	_ =	shalt  }
0x69: {  	_ =	shalt  }
0x6a: {  	_ =	shalt  }
0x6b: {  	_ =	shalt  }
0x6c: {  	_ =	shalt  }
0x6d: {  	_ =	shalt  }
0x6e: {  	_ =	shalt  }
0x6f: {  	_ =	shalt  }
0x70: {  	_ =	shalt  }
0x71: {  	_ =	shalt  }
0x72: {  	_ =	shalt  }
0x73: {  	_ =	shalt  }
0x74: {  	_ =	shalt  }
0x75: {  	_ =	shalt  }
0x76: {  	_ =	shalt  }
0x77: {  	_ =	shalt  }
0x78: {  	_ =	shalt  }
0x79: {  	_ =	shalt  }
0x7a: {  	_ =	shalt  }
0x7b: {  	_ =	shalt  }
0x7c: {  	_ =	shalt  }
0x7d: {  	_ =	shalt  }
0x7e: {  	_ =	shalt  }
0x7f: {  	_ =	shalt  }
0x80: {  	_ =	shalt  }
0x81: {  	_ =	shalt  }
0x82: {  	_ =	shalt  }
0x83: {  	_ =	shalt  }
0x84: {  	_ =	shalt  }
0x85: {  	_ =	shalt  }
0x86: {  	_ =	shalt  }
0x87: {  	_ =	shalt  }
.Lfunc_end0:
.L_simem_size_0:
called_computation_lowered:
.L_overlay_start_0:
0x88: {  	s2 =	sld [smem:$0x3FD9]  }
0x89: {  	s3 =	sld [smem:$0x3FFE];
	_ =	sdelay $0x1  }
0x8a: {  	s1 =	srdreg.scid  }
0x8b: {  	s0 =	sand.u32 $0x1, s1  }
0x8c: {  	s17 =	sshll.u32 s0, $0xA;
	s2 =	sadd.s32 s3, s2  }
0x8d: {  	s2 =	sadd.s32 s2, s17  }
0x8e: {  	[smem:$0x3FB4] =	sst s2  }
0x8f: {  	_ = 	snop  }
0x90: {  	s2 =	sld [smem:$0x3FD0];
	(tm) =	ssettm $0x1  }
0x91: {  	s18 =	sld [smem:$0x3FFB];
	_ =	sdelay $0x3  }
0x92: {  	_ =	strace s18  }
0x93: {  	s3 =	sld [smem:$0x3FFC];
	_ =	sdelay $0x3  }
0x94: {  	_ =	strace s3  }
0x95: {  	s3 =	sld [smem:$0x3FFD];
	_ =	sdelay $0x3  }
0x96: {  	_ =	strace s3  }
0x97: {  	_ =	strace $0x8FFFFFFF  }
0x98: {  	s19 =	sld [smem:$0x3FDB];
	_ =	sdelay $0x1  }
0x99: {  	s4 =	simm.s32 $_scs_section_size  }
0x9a: {  	s5 =	simm.s32 $_size__tile_overlayer_lowered;
	s6 =	simm.s32 $_tile_overlayer_lowered  }
0x9b: {  	s22 =	simm.s32 $0x1BFF;
	s21 =	sshll.u32 s6, $0x1;
	s3 =	sadd.s32 s4, s19  }
0x9c: {  	s7 =	simm.s32 $0x0;
	s20 =	sshll.u32 s5, $0x1;
	s5 =	sadd.s32 s21, s3  }
0x9d: {  	[timem:s7], [sflag:s22] =	dma.local [hbm:s5], s20  }
0x9e: {  	_ =	swait.ge [sflag:s22], s20  }
0x9f: {  	s4 =	ssub.s32 $0x0, s20;
	[sflag:s22] =	ssyncset.done $0x0  }
0xa0: {  	[sflag:s22] =	ssyncadd.s32 s4;
	_ =	sdelay $0x1  }
0xa1: {  	s23 =	simm.s32 $0x1B8B  }
0xa2: {  	_ =	swait.ge [sflag:s23], $0x1  }
0xa3: {  	[sflag:s23] =	ssyncset.done $0x0  }
0xa4: {  	s25 =	simm.s32 $0x1B8E;
	s24 =	sld [smem:$0x3FFE];
	[sflag:s23] =	ssyncadd.s32 $0xFFFFFFFF  }
0xa5: {  	s26 =	simm.s32 $execute0_lowered;
	[smem:$0x3FD2] =	sst s25  }
0xa6: {  	s5 =	sshll.u32 s26, $0x1;
	_ =	strace $0x80000046;
	[dreg:$0x1] =	wrdreg $0xFFFFFFFF  }
0xa7: {  	s28 =	simm.s32 $_size_execute0_lowered;
	s3 =	sadd.s32 s3, s5;
	[dreg:$0x0] =	wrdreg $0x0  }
0xa8: {  	s5 =	sshll.u32 s28, $0x1;
	[dreg:$0x2] =	wrdreg s3  }
0xa9: {  	[dreg:$0x3] =	wrdreg s5  }
0xaa: {  	[dreg:$0x4] =	wrdreg $0xC0  }
0xab: {  	_ =	task [dreg:s7], $0x5FFFF  }
0xac: {  	[dreg:$0x1] =	wrdreg $0xFFFFFFFF  }
0xad: {  	[dreg:$0x0] =	wrdreg $0x60  }
0xae: {  	[dreg:$0x2] =	wrdreg s24  }
0xaf: {  	[dreg:$0x3] =	wrdreg s2  }
0xb0: {  	[dreg:$0x4] =	wrdreg $0x9  }
0xb1: {  	_ =	task.clear_ibuf [dreg:s7], $0x5FFFF;
	_ =	strace $0x90000046  }
0xb2: {  	s29 =	simm.s32 $0x9;
	_ =	strace $0x80000048  }
0xb3: {  	_ =	swait.ge [sflag:s29], $0x1  }
0xb4: {  	[sflag:s29] =	ssyncadd.s32 $0xFFFFFFFF  }
0xb5: {  	_ =	strace $0x90000048  }
0xb6: {  	_ =	sfence  }
0xb7: {  	s30 =	sld [smem:$0x0];
	_ =	sdelay $0x2  }
0xb8: {  	s31 =	sshll.u32 s1, $0xD;
	s1 =	sshrl.u32 s1, $0x2  }
0xb9: {  	s3 =	sand.u32 $0x4000, s31;
	s1 =	sadd.s32 s1, s30  }
0xba: {  	s0 =	sor.u32 s3, s0;
	s1 =	sshll.u32 s1, $0x11  }
0xbb: {  	s0 =	sor.u32 s1, s0  }
0xbc: {  	s0 =	sadd.s32 $0x8F2B, s0  }
0xbd: {  	[sflag:s0] =	ssyncadd.remote.s32 $0x1  }
0xbe: {  	_ =	sfence.sel $0xFFFF  }
0xbf: {  	[dreg:$0x0] =	wrdreg $0xFFFFFFFF;
	(pc) =	sbr.abs _section_cstart, $3  }
0xc0: {  	[dreg:$0x1] =	wrdreg $0xFFFFFFFF  }
0xc1: {  	_ =	task.clear_ibuf [dreg:s7], $0x2FFFF;
	_ =	strace $0x9FFFFFFF  }
0xc2: {  	(tm) =	ssettm $0x7FFFFFFF  }
0xc3: {  	_ =	shalt  }
tec
execute0_lowered:
.L_overlay_start_1:
0x0: {  	(tag) =	ssettag $0x1  }
0x1: {  	s1 =	srdreg.scid  }
0x2: {  	s0 =	stileid.u32;
	s6 =	sand.u32 $0x1, s1  }
0x3: {  	s5 =	rddreg [dreg:$0x0];
	s30 =	sshll.u32 s0, $0x4;
	s2 =	sshll.u32 s6, $0x3  }
0x4: {  	s8 =	rddreg [dreg:$0x1];
	s9 =	sor.u32 s2, s30  }
0x5: {  	s1 =	rddreg [dreg:$0x2];
	s2 =	simm.s32 $0x0;
	s3 =	sshrl.u32 s9, $0x3  }
0x6: {  	s10 =	ssub.s32 $0x2, s6;
	[smem:$0x7FF] =	sst s2;
	s3 =	sadd.s32 s3, s5  }
0x7: {  	_ =	strace $0x80000047;
	s4 =	sadd.s32 $0xAA00, s3;
	s3 =	simm.s32 $0x2  }
0x8: {  	[tilespmem:s2], [sflag:$0x2] =	stream.linear.gather [hbm4b:s4+s2], $0x8, $0x38;
	[tilespmem:$0x108] =	vst v63  }
0x9: {  	s7 =	simm.s32 $0x1;
	s11 =	sshrl.u32 s10, $0x1;
	_ =	swait.ge [sflag:s3], $0x8  }
0xa: {  	s6 =	simm.s32 $0x8;
	s10 =	ssub.s32 s10, s11;
	[sflag:s3] =	ssyncset.done $0x0  }
0xb: {  	s5 =	sadd.s32 $0x2A00, s5;
	s31 =	smax.u32 s10, $0x1;
	[sflag:s3] =	ssyncadd.s32 $0xFFFFFFF8  }
0xc: {  	[tilespmem:s6], [sflag:$0x1] =	stream.indirect.gather [hbm4b:s5+s6], $0x20, s2, s6, $0xb8;
	[tilespmem:$0x108] =	vst v63  }
0xd: {  	p0 =	sne.s32 s31, $0x1;
	_ =	swait.ge [sflag:s7], $0x100  }
.Ltmp0:
0xe: {  	s9 =	sshll.u32 s9, $0x2;
	[sflag:s7] =	ssyncset.done $0x0;
	(pc) =	sbr.rel @!p0 .LBB2_2-.Ltmp0, $4  }
0xf: {  	s8 =	sadd.s32 s8, s9;
	[sflag:s7] =	ssyncadd.s32 $0xFFFFFF00  }
0x10: {  	[hbm4b:s8+s2] =	stream.linear.scatter [tilespmem:s6], [sflag:$0x2], $0x100, $0x38;
	[tilespmem:$0x108] =	vst v63  }
0x11: {  	_ =	swait.ge [sflag:s3], $0x100  }
0x12: {  	s9 =	sadd.s32 $0xFFFFFFFF, s31;
	[sflag:s3] =	ssyncset.done $0x0  }
.LBB2_1:
0x13: {  	p0 =	sne.s32 s9, $0x1;
	s9 =	sadd.s32 $0xFFFFFFFF, s9;
	[sflag:s3] =	ssyncadd.s32 $0xFFFFFF00  }
0x14: {  	[tilespmem:s2], [sflag:$0x2] =	stream.linear.gather [hbm4b:s4+s2], $0x8, $0x38;
	[tilespmem:$0x108] =	vst v63  }
0x15: {  	_ =	swait.ge [sflag:s3], $0x8  }
0x16: {  	[sflag:s3] =	ssyncset.done $0x0  }
0x17: {  	[sflag:s3] =	ssyncadd.s32 $0xFFFFFFF8  }
0x18: {  	[tilespmem:s6], [sflag:$0x1] =	stream.indirect.gather [hbm4b:s5+s6], $0x20, s2, s6, $0xb8;
	[tilespmem:$0x108] =	vst v63  }
0x19: {  	_ =	swait.ge [sflag:s7], $0x100  }
.Ltmp1:
0x1a: {  	[sflag:s7] =	ssyncset.done $0x0;
	(pc) =	sbr.rel @p0 .LBB2_1-.Ltmp1, $4  }
0x1b: {  	[sflag:s7] =	ssyncadd.s32 $0xFFFFFF00  }
0x1c: {  	[hbm4b:s8+s2] =	stream.linear.scatter [tilespmem:s6], [sflag:$0x2], $0x100, $0x38;
	[tilespmem:$0x108] =	vst v63  }
0x1d: {  	_ =	swait.ge [sflag:s3], $0x100  }
0x1e: {  	[sflag:s3] =	ssyncset.done $0x0  }
.LBB2_2:
0x1f: {  	[sflag:s3] =	ssyncadd.s32 $0xFFFFFF00  }
0x20: {  	_ =	sfence.sel $0x180000  }
0x21: {  	[bflag:$0x0] =	sbarrier.arrive $0xFFFF  }
0x22: {  	p0 =	sne.s32 s0, $0x0;
	_ =	strace $0x90000047  }
0x23: {  	s0 =	sadd.s32 @!p0 $0x100000, s1;
	[bflag:$0x2] =	sbarrier.arrive $0xFFFF  }
0x24: {  	[sflag:s0] =	ssyncadd.tile.s32 @!p0 $0x1;
	_ =	shalt  }
.Lfunc_end2:
_tile_overlayer_lowered:
.L_overlay_start_2:
0x25: {  	(tag) =	ssettag $0x2  }
0x26: {  	s0 =	rddreg [dreg:$0x0];
	s2 =	stileid.u32  }
0x27: {  	s1 =	rddreg [dreg:$0x1];
	p0 =	sne.s32 s2, $0x0  }
0x28: {  	s3 =	rddreg [dreg:$0x2];
	[bflag:$0x3] =	sbarrier.arrive $0xFFFF;
	s2 =	simm.s32 @!p0 $0x1C02  }
0x29: {  	[timem:s3], [sflag:s2] =	dma.local @!p0 [hbm:s0], s1  }
0x2a: {  	s0 =	simm.s32 @!p0 $0x2  }
0x2b: {  	_ =	swait.ge @!p0 [sflag:s0], s1  }
0x2c: {  	s1 =	ssub.s32 @!p0 $0x0, s1;
	[sflag:s0] =	ssyncset.done @!p0 $0x0  }
0x2d: {  	[sflag:s0] =	ssyncadd.s32 @!p0 s1  }
0x2e: {  	[bflag:$0x3] =	sbarrier.arrive $0xFFFF  }
0x2f: {  	_ =	shalt  }

</sc_bundles>
